<compile_context>
chip_gen: v7x
topology: tpu7x:2x2x1
jax: 0.10.2.dev20260603
libtpu: 0.0.44.dev20260713+nightly
codegen_flags: <defaults>
</compile_context>

<pallas_src>
import functools

import jax
import jax.numpy as jnp
from jax import lax
from jax.experimental import pallas as pl
from jax.experimental.pallas import tpu as pltpu
from jax.experimental.pallas import tpu_sc as plsc



def _maxmatch_body(b_ref, a_ref, max_ref, idx_ref, *, TD, ND):
    j = pl.program_id(2)
    a = a_ref[0]
    b = b_ref[0]
    s = lax.dot_general(b, a, (((1,), (1,)), ((), ())))
    tmax = jnp.max(s, axis=0, keepdims=True)
    dio = lax.broadcasted_iota(jnp.int32, s.shape, 0) + j * TD
    targ = jnp.min(jnp.where(s == tmax, dio, ND * TD), axis=0, keepdims=True)

    @pl.when(j == 0)
    def _():
        max_ref[0] = tmax
        idx_ref[0] = targ

    @pl.when(j > 0)
    def _():
        old = max_ref[0]
        upd = tmax > old
        max_ref[0] = jnp.where(upd, tmax, old)
        idx_ref[0] = jnp.where(upd, targ, idx_ref[0])


def _node_max_idx(a, b, TS=512, TD=512):
    B, T, K = a.shape
    NS, ND = T // TS, T // TD
    grid = (B, NS, ND)
    out = pl.pallas_call(
        functools.partial(_maxmatch_body, TD=TD, ND=ND),
        grid=grid,
        in_specs=[
            pl.BlockSpec((1, TD, K), lambda bi, si, di: (bi * ND + di, 0, 0)),
            pl.BlockSpec((1, TS, K), lambda bi, si, di: (bi * NS + si, 0, 0)),
        ],
        out_specs=[
            pl.BlockSpec((1, 1, TS), lambda bi, si, di: (bi * NS + si, 0, 0)),
            pl.BlockSpec((1, 1, TS), lambda bi, si, di: (bi * NS + si, 0, 0)),
        ],
        out_shape=[
            jax.ShapeDtypeStruct((B * NS, 1, TS), jnp.float32),
            jax.ShapeDtypeStruct((B * NS, 1, TS), jnp.int32),
        ],
    )(b.reshape(B * ND, TD, K), a.reshape(B * NS, TS, K))
    node_max = out[0].reshape(B, T)
    node_idx = out[1].reshape(B, T)
    return node_max, node_idx



def _rank_body(vj_ref, vi_ref, rank_ref, *, TI, TJ):
    jb = pl.program_id(2)
    vj = vj_ref[0]
    vi = vi_ref[0]
    jid = lax.broadcasted_iota(jnp.int32, (TJ, TI), 0) + jb * TJ
    iid = lax.broadcasted_iota(jnp.int32, (TJ, TI), 1) + pl.program_id(1) * TI
    cmp = (vj > vi) | ((vj == vi) & (jid < iid))
    cnt = jnp.sum(cmp.astype(jnp.int32), axis=0, keepdims=True)

    @pl.when(jb == 0)
    def _():
        rank_ref[0] = cnt

    @pl.when(jb > 0)
    def _():
        rank_ref[0] = rank_ref[0] + cnt


def _stable_rank(node_max, TI=512, TJ=512):
    B, T = node_max.shape
    NI, NJ = T // TI, T // TJ
    grid = (B, NI, NJ)
    rank = pl.pallas_call(
        functools.partial(_rank_body, TI=TI, TJ=TJ),
        grid=grid,
        in_specs=[
            pl.BlockSpec((1, TJ, 1), lambda bi, ii, ji: (bi * NJ + ji, 0, 0)),
            pl.BlockSpec((1, 1, TI), lambda bi, ii, ji: (bi * NI + ii, 0, 0)),
        ],
        out_specs=pl.BlockSpec((1, 1, TI), lambda bi, ii, ji: (bi * NI + ii, 0, 0)),
        out_shape=jax.ShapeDtypeStruct((B * NI, 1, TI), jnp.int32),
    )(node_max.reshape(B * NJ, TJ, 1), node_max.reshape(B * NI, 1, TI))
    return rank.reshape(B, T)




def _invdval_body(rk_ref, nd_ref, inv_ref, dval_ref, *, TI, TP):
    ib = pl.program_id(2)
    rk = rk_ref[0]
    nd = nd_ref[0]
    pids = lax.broadcasted_iota(jnp.int32, (TI, TP), 1) + pl.program_id(1) * TP
    iids = lax.broadcasted_iota(jnp.int32, (TI, TP), 0) + ib * TI
    eq = (rk == pids).astype(jnp.int32)
    inv_c = jnp.sum(eq * iids, axis=0, keepdims=True)
    dval_c = jnp.sum(eq * nd, axis=0, keepdims=True)

    @pl.when(ib == 0)
    def _():
        inv_ref[0] = inv_c
        dval_ref[0] = dval_c

    @pl.when(ib > 0)
    def _():
        inv_ref[0] = inv_ref[0] + inv_c
        dval_ref[0] = dval_ref[0] + dval_c


def _inv_dval(rank, node_idx, TI=512, TP=512):
    B, T = rank.shape
    NI, NP = T // TI, T // TP
    grid = (B, NP, NI)
    outs = pl.pallas_call(
        functools.partial(_invdval_body, TI=TI, TP=TP),
        grid=grid,
        in_specs=[
            pl.BlockSpec((1, TI, 1), lambda bi, pi, ii: (bi * NI + ii, 0, 0)),
            pl.BlockSpec((1, TI, 1), lambda bi, pi, ii: (bi * NI + ii, 0, 0)),
        ],
        out_specs=[
            pl.BlockSpec((1, 1, TP), lambda bi, pi, ii: (bi * NP + pi, 0, 0)),
            pl.BlockSpec((1, 1, TP), lambda bi, pi, ii: (bi * NP + pi, 0, 0)),
        ],
        out_shape=[
            jax.ShapeDtypeStruct((B * NP, 1, TP), jnp.int32),
            jax.ShapeDtypeStruct((B * NP, 1, TP), jnp.int32),
        ],
    )(rank.reshape(B * NI, TI, 1), node_idx.reshape(B * NI, TI, 1))
    return outs[0].reshape(B, T), outs[1].reshape(B, T)



_NC, _NS = 2, 16


def _gather_sc_body(xf, inv_h, outbuf, srcg, inv64, idx64, rows, *, B, N, T, r):
    c = lax.axis_index("c")
    s = lax.axis_index("s")
    w = c * _NS + s
    i16 = lax.broadcasted_iota(jnp.int32, (16,), 0)
    UNM = T - r
    upw = UNM // (_NC * _NS)
    p0 = w * upw

    for b in range(B):
        pltpu.sync_copy(inv_h.at[b, pl.ds(r + p0, upw)], inv64)
        for g in range(upw // 16):
            iv = plsc.load_gather(inv64, [i16 + g * 16])
            idx64[pl.ds(g * 16, 16)] = b * N + iv * 2
        pltpu.sync_copy(xf.at[idx64], rows)
        pltpu.sync_copy(rows, outbuf.at[pl.ds(b * (T + r) + p0, upw)])
        pltpu.sync_copy(inv_h.at[b, pl.ds(p0, upw)], inv64)
        for g in range(upw // 16):
            iv = plsc.load_gather(inv64, [i16 + g * 16])
            idx64[pl.ds(g * 16, 16)] = b * N + iv * 2
        pltpu.sync_copy(xf.at[idx64], rows)
        pltpu.sync_copy(rows, srcg.at[pl.ds(b * r + p0, upw)])


def _gather_sc(x, inv, r):
    B, N, C = x.shape
    T = N // 2
    xf = x.reshape(B * N, C)
    mesh = plsc.VectorSubcoreMesh(core_axis_name="c", subcore_axis_name="s")
    outbuf, srcg = pl.kernel(
        functools.partial(_gather_sc_body, B=B, N=N, T=T, r=r),
        out_type=[
            jax.ShapeDtypeStruct((B * (N - r), C), jnp.float32),
            jax.ShapeDtypeStruct((B * r, C), jnp.float32),
        ],
        mesh=mesh,
        compiler_params=pltpu.CompilerParams(needs_layout_passes=False),
        scratch_types=[
            pltpu.VMEM((64,), jnp.int32),
            pltpu.VMEM((64,), jnp.int32),
            pltpu.VMEM((64, 1024), jnp.float32),
        ],
    )(xf, inv)
    return outbuf, srcg




def _segsum_body(dv_ref, srcg_ref, x4_ref, _obin_ref, out_ref, cnt_ref,
                 *, TD, TQ, NQ):
    q = pl.program_id(2)
    dv = dv_ref[0]
    sg = srcg_ref[0]
    dids = lax.broadcasted_iota(jnp.int32, (TD, TQ), 0) + pl.program_id(1) * TD
    S = (dv == dids).astype(jnp.float32)
    acc = lax.dot_general(S, sg, (((1,), (0,)), ((), ())))
    cnt = jnp.broadcast_to(jnp.sum(S, axis=1, keepdims=True), (TD, 128))

    @pl.when(q == 0)
    def _():
        out_ref[0] = acc
        cnt_ref[...] = cnt

    @pl.when(q > 0)
    def _():
        out_ref[0] = out_ref[0] + acc
        cnt_ref[...] = cnt_ref[...] + cnt

    @pl.when(q == NQ - 1)
    def _():
        C = out_ref.shape[-1]
        xdst = x4_ref[0][:, C:]
        ss = cnt_ref[:, 0:1] + 1.0
        out_ref[0] = (out_ref[0] + xdst) / ss


def _segsum(dval2, srcg, x, outbuf, r, TD=512, TQ=512):
    B, N, C = x.shape
    T = N // 2
    ND, NQ = T // TD, r // TQ
    grid = (B, ND, NQ)
    DOFF = (T - r + TD - 1) // TD
    out = pl.pallas_call(
        functools.partial(_segsum_body, TD=TD, TQ=TQ, NQ=NQ),
        grid=grid,
        in_specs=[
            pl.BlockSpec((1, 1, TQ), lambda bi, di, qi: (bi * NQ + qi, 0, 0)),
            pl.BlockSpec((1, TQ, C), lambda bi, di, qi: (bi * NQ + qi, 0, 0)),
            pl.BlockSpec((1, TD, 2 * C), lambda bi, di, qi: (bi, di, 0)),
            pl.BlockSpec(memory_space=pltpu.MemorySpace.HBM),
        ],
        out_specs=pl.BlockSpec((1, TD, C), lambda bi, di, qi: (bi, di + DOFF, 0)),
        out_shape=jax.ShapeDtypeStruct((B, N - r, C), jnp.float32),
        scratch_shapes=[pltpu.VMEM((TD, 128), jnp.float32)],
        input_output_aliases={3: 0},
    )(
        dval2.reshape(B * NQ, 1, TQ),
        srcg.reshape(B * NQ, TQ, C),
        x.reshape(B, T, 2 * C),
        outbuf.reshape(B, N - r, C),
    )
    return out



def kernel(x, metric):
    B, N, C = x.shape
    T = N // 2
    r = min(2048, T)

    m = metric / jnp.linalg.norm(metric, axis=-1, keepdims=True)
    a, b = m[..., ::2, :], m[..., 1::2, :]

    node_max, node_idx = _node_max_idx(a, b)
    rank = _stable_rank(node_max)
    inv, dval = _inv_dval(rank, node_idx)
    outbuf, srcg = _gather_sc(x, inv, r)
    return _segsum(dval[:, :r], srcg, x, outbuf, r)

# --- scband reference (transcript-rebuilt; emitter-appended) ---
"""Pipeline reference for scband-token-merging-27831388078641 (READ-ONLY COPY).

The authoritative reference and input builder live on the scoring server;
editing this copy changes nothing except your own understanding.
"""

import jax, jax.numpy as jnp
import numpy as np

R = 2048


def _merge_sum(v, unm_idx, src_idx, dst_idx):
    # v: [B, N, C]; split into even (src) / odd (dst) token sets
    src, dst = v[..., ::2, :], v[..., 1::2, :]
    B = v.shape[0]
    # gather unmerged src tokens: [B, t1-r, C]
    unm = jnp.take_along_axis(src, unm_idx[..., None], axis=1)
    # gather merged src tokens: [B, r, C]
    srcg = jnp.take_along_axis(src, src_idx[..., None], axis=1)
    # scatter-add merged src tokens into their dst tokens (include_self=True semantics)
    bi = jnp.arange(B)[:, None]
    dst = dst.at[bi, dst_idx].add(srcg)
    return jnp.concatenate([unm, dst], axis=1)


def setup_inputs(seed: int = 0) -> dict:
    key = jax.random.key(seed)
    k1, k2 = jax.random.split(key)
    x = jax.random.normal(k1, (2, 8192, 1024), dtype=jnp.float32)
    metric = jax.random.normal(k2, (2, 8192, 64), dtype=jnp.float32)
    return {"x": x, "metric": metric}


def reference(x, metric):
    # TokenMerging.forward with r = R > 0, class_token=False, distill_token=False,
    # size=None (first call), trace_source=False.
    B, N, C = x.shape
    t = metric.shape[1]
    r = min(R, t // 2)

    # bipartite_soft_matching (torch.no_grad block)
    m = metric / jnp.linalg.norm(metric, axis=-1, keepdims=True)
    a, b = m[..., ::2, :], m[..., 1::2, :]
    scores = a @ jnp.swapaxes(b, -1, -2)  # [B, N/2, N/2]
    node_max = jnp.max(scores, axis=-1)   # [B, N/2]
    node_idx = jnp.argmax(scores, axis=-1)  # [B, N/2]
    edge_idx = jnp.argsort(-node_max, axis=-1)  # descending sort
    unm_idx = edge_idx[..., r:]  # [B, N/2 - r] unmerged tokens
    src_idx = edge_idx[..., :r]  # [B, r] merged tokens
    dst_idx = jnp.take_along_axis(node_idx, src_idx, axis=-1)  # [B, r]

    # merge_wavg with size=None -> size = ones
    size = jnp.ones((B, N, 1), x.dtype)
    xs = _merge_sum(x * size, unm_idx, src_idx, dst_idx)
    ss = _merge_sum(size, unm_idx, src_idx, dst_idx)
    out = xs / ss  # [B, N - r, C]
    return out

if __name__ == "__main__":
    import jax
    _d = setup_inputs()
    print(jax.jit(kernel)(*tuple(_d.values())))

</pallas_src>

<mosaic_0001>
#map = affine_map<(d0, d1) -> (0, 0)>
module attributes {stable_mosaic.version = 14 : i64} {
  func.func @_gather_sc_body(%arg0: i32, %arg1: i32, %arg2: memref<16384x1024xf32, #tpu.memory_space<hbm>>, %arg3: memref<2x4096xi32, #tpu.memory_space<hbm>>, %arg4: memref<12288x1024xf32, #tpu.memory_space<hbm>>, %arg5: memref<4096x1024xf32, #tpu.memory_space<hbm>>, %arg6: memref<64xi32, #tpu.memory_space<vmem>>, %arg7: memref<64xi32, #tpu.memory_space<vmem>>, %arg8: memref<64x1024xf32, #tpu.memory_space<vmem>>) attributes {dimension_semantics = [#tpu.dimension_semantics<core_parallel>, #tpu.dimension_semantics<subcore_parallel>], iteration_bounds = array<i64: 2, 16>, scalar_prefetch = 0 : i64, scratch_operands = 3 : i64, tpu.core_type = #tpu.core_type<sc_vector_subcore>, window_params = [{transform_indices = #map}, {transform_indices = #map}, {transform_indices = #map}, {transform_indices = #map}]} {
    %mul3A = arith.constant 16 : i32
    %mul3A_0 = arith.muli %arg0, %mul3A : i32
    %add3A = arith.addi %mul3A_0, %arg1 : i32
    %iota3A = tpu.iota {dimensions = array<i32: 0>} : vector<16xi32>
    %mul3A_1 = arith.constant 64 : i32
    %mul3A_2 = arith.muli %add3A, %mul3A_1 : i32
    %add3A_3 = arith.constant 2048 : i32
    %add3A_4 = arith.addi %add3A_3, %mul3A_2 : i32
    %run_scoped3A = arith.constant 0 : i32
    "tpu.region"() ({
      %run_scoped3A_208 = tpu.sem_alloc : memref<!tpu.dma_semaphore, #tpu.memory_space<semaphore_mem>>
      %dma_start3A = tpu.memref_slice %arg3[%run_scoped3A, %add3A_4] : memref<2x4096xi32, #tpu.memory_space<hbm>> -> memref<1x64xi32, #tpu.memory_space<hbm>>
      %dma_start3A_209 = tpu.memref_squeeze %dma_start3A : memref<1x64xi32, #tpu.memory_space<hbm>> -> memref<64xi32, #tpu.memory_space<hbm>>
      %dma_start3A_210 = tpu.memref_slice %arg3[%run_scoped3A, %add3A_4] : memref<2x4096xi32, #tpu.memory_space<hbm>> -> memref<1x64xi32, #tpu.memory_space<hbm>>
      %dma_start3A_211 = tpu.memref_squeeze %dma_start3A_210 : memref<1x64xi32, #tpu.memory_space<hbm>> -> memref<64xi32, #tpu.memory_space<hbm>>
      tpu.enqueue_dma source(%dma_start3A_211 : memref<64xi32, #tpu.memory_space<hbm>>) target(%arg6 : memref<64xi32, #tpu.memory_space<vmem>>) target_semaphore(%run_scoped3A_208 : memref<!tpu.dma_semaphore, #tpu.memory_space<semaphore_mem>>)
      %dma_wait3A = tpu.memref_slice %arg3[%run_scoped3A, %add3A_4] : memref<2x4096xi32, #tpu.memory_space<hbm>> -> memref<1x64xi32, #tpu.memory_space<hbm>>
      %dma_wait3A_212 = tpu.memref_squeeze %dma_wait3A : memref<1x64xi32, #tpu.memory_space<hbm>> -> memref<64xi32, #tpu.memory_space<hbm>>
      %dma_wait3A_213 = tpu.memref_slice %arg3[%run_scoped3A, %add3A_4] : memref<2x4096xi32, #tpu.memory_space<hbm>> -> memref<1x64xi32, #tpu.memory_space<hbm>>
      %dma_wait3A_214 = tpu.memref_squeeze %dma_wait3A_213 : memref<1x64xi32, #tpu.memory_space<hbm>> -> memref<64xi32, #tpu.memory_space<hbm>>
      tpu.wait_dma2 semaphore(%run_scoped3A_208 : memref<!tpu.dma_semaphore, #tpu.memory_space<semaphore_mem>>) src(%dma_wait3A_214 : memref<64xi32, #tpu.memory_space<hbm>>) dst(%arg6 : memref<64xi32, #tpu.memory_space<vmem>>)
      tpu.yield
    }) : () -> ()
    %add3A_5 = arith.constant 0 : i32
    %add3A_6 = vector.broadcast %add3A_5 : i32 to vector<16xi32>
    %add3A_7 = arith.addi %iota3A, %add3A_6 : vector<16xi32>
    %gather3A = tpu.vector_load_idx %arg6[%add3A_7] : memref<64xi32, #tpu.memory_space<vmem>>[vector<16xi32>], vector<16xi32>,
    %mul3A_8 = arith.constant 2 : i32
    %mul3A_9 = vector.broadcast %mul3A_8 : i32 to vector<16xi32>
    %mul3A_10 = arith.muli %gather3A, %mul3A_9 : vector<16xi32>
    %add3A_11 = arith.constant 0 : i32
    %add3A_12 = vector.broadcast %add3A_11 : i32 to vector<16xi32>
    %add3A_13 = arith.addi %add3A_12, %mul3A_10 : vector<16xi32>
    %swap3A = arith.constant 0 : index
    %swap3A_14 = tpu.vector_load %arg7[%swap3A] {strides = array<i32>} : memref<64xi32, #tpu.memory_space<vmem>>, vector<16xi32>,
    tpu.vector_store %arg7[%swap3A], %add3A_13 {strides = array<i32>} : memref<64xi32, #tpu.memory_space<vmem>>, vector<16xi32>,
    %add3A_15 = arith.constant 16 : i32
    %add3A_16 = vector.broadcast %add3A_15 : i32 to vector<16xi32>
    %add3A_17 = arith.addi %iota3A, %add3A_16 : vector<16xi32>
    %gather3A_18 = tpu.vector_load_idx %arg6[%add3A_17] : memref<64xi32, #tpu.memory_space<vmem>>[vector<16xi32>], vector<16xi32>,
    %mul3A_19 = arith.constant 2 : i32
    %mul3A_20 = vector.broadcast %mul3A_19 : i32 to vector<16xi32>
    %mul3A_21 = arith.muli %gather3A_18, %mul3A_20 : vector<16xi32>
    %add3A_22 = arith.constant 0 : i32
    %add3A_23 = vector.broadcast %add3A_22 : i32 to vector<16xi32>
    %add3A_24 = arith.addi %add3A_23, %mul3A_21 : vector<16xi32>
    %swap3A_25 = arith.constant 16 : index
    %swap3A_26 = tpu.vector_load %arg7[%swap3A_25] {strides = array<i32>} : memref<64xi32, #tpu.memory_space<vmem>>, vector<16xi32>,
    tpu.vector_store %arg7[%swap3A_25], %add3A_24 {strides = array<i32>} : memref<64xi32, #tpu.memory_space<vmem>>, vector<16xi32>,
    %add3A_27 = arith.constant 32 : i32
    %add3A_28 = vector.broadcast %add3A_27 : i32 to vector<16xi32>
    %add3A_29 = arith.addi %iota3A, %add3A_28 : vector<16xi32>
    %gather3A_30 = tpu.vector_load_idx %arg6[%add3A_29] : memref<64xi32, #tpu.memory_space<vmem>>[vector<16xi32>], vector<16xi32>,
    %mul3A_31 = arith.constant 2 : i32
    %mul3A_32 = vector.broadcast %mul3A_31 : i32 to vector<16xi32>
    %mul3A_33 = arith.muli %gather3A_30, %mul3A_32 : vector<16xi32>
    %add3A_34 = arith.constant 0 : i32
    %add3A_35 = vector.broadcast %add3A_34 : i32 to vector<16xi32>
    %add3A_36 = arith.addi %add3A_35, %mul3A_33 : vector<16xi32>
    %swap3A_37 = arith.constant 32 : index
    %swap3A_38 = tpu.vector_load %arg7[%swap3A_37] {strides = array<i32>} : memref<64xi32, #tpu.memory_space<vmem>>, vector<16xi32>,
    tpu.vector_store %arg7[%swap3A_37], %add3A_36 {strides = array<i32>} : memref<64xi32, #tpu.memory_space<vmem>>, vector<16xi32>,
    %add3A_39 = arith.constant 48 : i32
    %add3A_40 = vector.broadcast %add3A_39 : i32 to vector<16xi32>
    %add3A_41 = arith.addi %iota3A, %add3A_40 : vector<16xi32>
    %gather3A_42 = tpu.vector_load_idx %arg6[%add3A_41] : memref<64xi32, #tpu.memory_space<vmem>>[vector<16xi32>], vector<16xi32>,
    %mul3A_43 = arith.constant 2 : i32
    %mul3A_44 = vector.broadcast %mul3A_43 : i32 to vector<16xi32>
    %mul3A_45 = arith.muli %gather3A_42, %mul3A_44 : vector<16xi32>
    %add3A_46 = arith.constant 0 : i32
    %add3A_47 = vector.broadcast %add3A_46 : i32 to vector<16xi32>
    %add3A_48 = arith.addi %add3A_47, %mul3A_45 : vector<16xi32>
    %swap3A_49 = arith.constant 48 : index
    %swap3A_50 = tpu.vector_load %arg7[%swap3A_49] {strides = array<i32>} : memref<64xi32, #tpu.memory_space<vmem>>, vector<16xi32>,
    tpu.vector_store %arg7[%swap3A_49], %add3A_48 {strides = array<i32>} : memref<64xi32, #tpu.memory_space<vmem>>, vector<16xi32>,
    "tpu.region"() ({
      %run_scoped3A_208 = tpu.sem_alloc : memref<!tpu.dma_semaphore, #tpu.memory_space<semaphore_mem>>
      %dma_start3A = arith.constant 0 : i32
      %dma_start3A_209 = arith.constant 0 : i32
      %dma_start3A_210 = tpu.memref_slice %arg2[%dma_start3A, %dma_start3A_209] : memref<16384x1024xf32, #tpu.memory_space<hbm>> -> memref<16384x1024xf32, #tpu.memory_space<hbm>>
      tpu.enqueue_indirect_dma source(%dma_start3A_210 : memref<16384x1024xf32, #tpu.memory_space<hbm>>) target(%arg8 : memref<64x1024xf32, #tpu.memory_space<vmem>>) offsets(%arg7 : memref<64xi32, #tpu.memory_space<vmem>>) semaphore(%run_scoped3A_208 : memref<!tpu.dma_semaphore, #tpu.memory_space<semaphore_mem>>)
      %dma_wait3A = arith.constant 0 : i32
      %dma_wait3A_211 = arith.constant 0 : i32
      %dma_wait3A_212 = tpu.memref_slice %arg2[%dma_wait3A, %dma_wait3A_211] : memref<16384x1024xf32, #tpu.memory_space<hbm>> -> memref<16384x1024xf32, #tpu.memory_space<hbm>>
      tpu.wait_indirect_dma semaphore(%run_scoped3A_208 : memref<!tpu.dma_semaphore, #tpu.memory_space<semaphore_mem>>) src(%dma_wait3A_212 : memref<16384x1024xf32, #tpu.memory_space<hbm>>) dst(%arg8 : memref<64x1024xf32, #tpu.memory_space<vmem>>)
      tpu.yield
    }) : () -> ()
    %add3A_51 = arith.constant 0 : i32
    %add3A_52 = arith.addi %add3A_51, %mul3A_2 : i32
    "tpu.region"() ({
      %run_scoped3A_208 = tpu.sem_alloc : memref<!tpu.dma_semaphore, #tpu.memory_space<semaphore_mem>>
      %dma_start3A = arith.constant 0 : i32
      %dma_start3A_209 = tpu.memref_slice %arg4[%add3A_52, %dma_start3A] : memref<12288x1024xf32, #tpu.memory_space<hbm>> -> memref<64x1024xf32, #tpu.memory_space<hbm>>
      %dma_start3A_210 = arith.constant 0 : i32
      %dma_start3A_211 = tpu.memref_slice %arg4[%add3A_52, %dma_start3A_210] : memref<12288x1024xf32, #tpu.memory_space<hbm>> -> memref<64x1024xf32, #tpu.memory_space<hbm>>
      tpu.enqueue_dma source(%arg8 : memref<64x1024xf32, #tpu.memory_space<vmem>>) target(%dma_start3A_211 : memref<64x1024xf32, #tpu.memory_space<hbm>>) target_semaphore(%run_scoped3A_208 : memref<!tpu.dma_semaphore, #tpu.memory_space<semaphore_mem>>)
      %dma_wait3A = arith.constant 0 : i32
      %dma_wait3A_212 = tpu.memref_slice %arg4[%add3A_52, %dma_wait3A] : memref<12288x1024xf32, #tpu.memory_space<hbm>> -> memref<64x1024xf32, #tpu.memory_space<hbm>>
      %dma_wait3A_213 = arith.constant 0 : i32
      %dma_wait3A_214 = tpu.memref_slice %arg4[%add3A_52, %dma_wait3A_213] : memref<12288x1024xf32, #tpu.memory_space<hbm>> -> memref<64x1024xf32, #tpu.memory_space<hbm>>
      tpu.wait_dma2 semaphore(%run_scoped3A_208 : memref<!tpu.dma_semaphore, #tpu.memory_space<semaphore_mem>>) src(%arg8 : memref<64x1024xf32, #tpu.memory_space<vmem>>) dst(%dma_wait3A_214 : memref<64x1024xf32, #tpu.memory_space<hbm>>)
      tpu.yield
    }) : () -> ()
    %run_scoped3A_53 = arith.constant 0 : i32
    "tpu.region"() ({
      %run_scoped3A_208 = tpu.sem_alloc : memref<!tpu.dma_semaphore, #tpu.memory_space<semaphore_mem>>
      %dma_start3A = tpu.memref_slice %arg3[%run_scoped3A_53, %mul3A_2] : memref<2x4096xi32, #tpu.memory_space<hbm>> -> memref<1x64xi32, #tpu.memory_space<hbm>>
      %dma_start3A_209 = tpu.memref_squeeze %dma_start3A : memref<1x64xi32, #tpu.memory_space<hbm>> -> memref<64xi32, #tpu.memory_space<hbm>>
      %dma_start3A_210 = tpu.memref_slice %arg3[%run_scoped3A_53, %mul3A_2] : memref<2x4096xi32, #tpu.memory_space<hbm>> -> memref<1x64xi32, #tpu.memory_space<hbm>>
      %dma_start3A_211 = tpu.memref_squeeze %dma_start3A_210 : memref<1x64xi32, #tpu.memory_space<hbm>> -> memref<64xi32, #tpu.memory_space<hbm>>
      tpu.enqueue_dma source(%dma_start3A_211 : memref<64xi32, #tpu.memory_space<hbm>>) target(%arg6 : memref<64xi32, #tpu.memory_space<vmem>>) target_semaphore(%run_scoped3A_208 : memref<!tpu.dma_semaphore, #tpu.memory_space<semaphore_mem>>)
      %dma_wait3A = tpu.memref_slice %arg3[%run_scoped3A_53, %mul3A_2] : memref<2x4096xi32, #tpu.memory_space<hbm>> -> memref<1x64xi32, #tpu.memory_space<hbm>>
      %dma_wait3A_212 = tpu.memref_squeeze %dma_wait3A : memref<1x64xi32, #tpu.memory_space<hbm>> -> memref<64xi32, #tpu.memory_space<hbm>>
      %dma_wait3A_213 = tpu.memref_slice %arg3[%run_scoped3A_53, %mul3A_2] : memref<2x4096xi32, #tpu.memory_space<hbm>> -> memref<1x64xi32, #tpu.memory_space<hbm>>
      %dma_wait3A_214 = tpu.memref_squeeze %dma_wait3A_213 : memref<1x64xi32, #tpu.memory_space<hbm>> -> memref<64xi32, #tpu.memory_space<hbm>>
      tpu.wait_dma2 semaphore(%run_scoped3A_208 : memref<!tpu.dma_semaphore, #tpu.memory_space<semaphore_mem>>) src(%dma_wait3A_214 : memref<64xi32, #tpu.memory_space<hbm>>) dst(%arg6 : memref<64xi32, #tpu.memory_space<vmem>>)
      tpu.yield
    }) : () -> ()
    %add3A_54 = arith.constant 0 : i32
    %add3A_55 = vector.broadcast %add3A_54 : i32 to vector<16xi32>
    %add3A_56 = arith.addi %iota3A, %add3A_55 : vector<16xi32>
    %gather3A_57 = tpu.vector_load_idx %arg6[%add3A_56] : memref<64xi32, #tpu.memory_space<vmem>>[vector<16xi32>], vector<16xi32>,
    %mul3A_58 = arith.constant 2 : i32
    %mul3A_59 = vector.broadcast %mul3A_58 : i32 to vector<16xi32>
    %mul3A_60 = arith.muli %gather3A_57, %mul3A_59 : vector<16xi32>
    %add3A_61 = arith.constant 0 : i32
    %add3A_62 = vector.broadcast %add3A_61 : i32 to vector<16xi32>
    %add3A_63 = arith.addi %add3A_62, %mul3A_60 : vector<16xi32>
    %swap3A_64 = arith.constant 0 : index
    %swap3A_65 = tpu.vector_load %arg7[%swap3A_64] {strides = array<i32>} : memref<64xi32, #tpu.memory_space<vmem>>, vector<16xi32>,
    tpu.vector_store %arg7[%swap3A_64], %add3A_63 {strides = array<i32>} : memref<64xi32, #tpu.memory_space<vmem>>, vector<16xi32>,
    %add3A_66 = arith.constant 16 : i32
    %add3A_67 = vector.broadcast %add3A_66 : i32 to vector<16xi32>
    %add3A_68 = arith.addi %iota3A, %add3A_67 : vector<16xi32>
    %gather3A_69 = tpu.vector_load_idx %arg6[%add3A_68] : memref<64xi32, #tpu.memory_space<vmem>>[vector<16xi32>], vector<16xi32>,
    %mul3A_70 = arith.constant 2 : i32
    %mul3A_71 = vector.broadcast %mul3A_70 : i32 to vector<16xi32>
    %mul3A_72 = arith.muli %gather3A_69, %mul3A_71 : vector<16xi32>
    %add3A_73 = arith.constant 0 : i32
    %add3A_74 = vector.broadcast %add3A_73 : i32 to vector<16xi32>
    %add3A_75 = arith.addi %add3A_74, %mul3A_72 : vector<16xi32>
    %swap3A_76 = arith.constant 16 : index
    %swap3A_77 = tpu.vector_load %arg7[%swap3A_76] {strides = array<i32>} : memref<64xi32, #tpu.memory_space<vmem>>, vector<16xi32>,
    tpu.vector_store %arg7[%swap3A_76], %add3A_75 {strides = array<i32>} : memref<64xi32, #tpu.memory_space<vmem>>, vector<16xi32>,
    %add3A_78 = arith.constant 32 : i32
    %add3A_79 = vector.broadcast %add3A_78 : i32 to vector<16xi32>
    %add3A_80 = arith.addi %iota3A, %add3A_79 : vector<16xi32>
    %gather3A_81 = tpu.vector_load_idx %arg6[%add3A_80] : memref<64xi32, #tpu.memory_space<vmem>>[vector<16xi32>], vector<16xi32>,
    %mul3A_82 = arith.constant 2 : i32
    %mul3A_83 = vector.broadcast %mul3A_82 : i32 to vector<16xi32>
    %mul3A_84 = arith.muli %gather3A_81, %mul3A_83 : vector<16xi32>
    %add3A_85 = arith.constant 0 : i32
    %add3A_86 = vector.broadcast %add3A_85 : i32 to vector<16xi32>
    %add3A_87 = arith.addi %add3A_86, %mul3A_84 : vector<16xi32>
    %swap3A_88 = arith.constant 32 : index
    %swap3A_89 = tpu.vector_load %arg7[%swap3A_88] {strides = array<i32>} : memref<64xi32, #tpu.memory_space<vmem>>, vector<16xi32>,
    tpu.vector_store %arg7[%swap3A_88], %add3A_87 {strides = array<i32>} : memref<64xi32, #tpu.memory_space<vmem>>, vector<16xi32>,
    %add3A_90 = arith.constant 48 : i32
    %add3A_91 = vector.broadcast %add3A_90 : i32 to vector<16xi32>
    %add3A_92 = arith.addi %iota3A, %add3A_91 : vector<16xi32>
    %gather3A_93 = tpu.vector_load_idx %arg6[%add3A_92] : memref<64xi32, #tpu.memory_space<vmem>>[vector<16xi32>], vector<16xi32>,
    %mul3A_94 = arith.constant 2 : i32
    %mul3A_95 = vector.broadcast %mul3A_94 : i32 to vector<16xi32>
    %mul3A_96 = arith.muli %gather3A_93, %mul3A_95 : vector<16xi32>
    %add3A_97 = arith.constant 0 : i32
    %add3A_98 = vector.broadcast %add3A_97 : i32 to vector<16xi32>
    %add3A_99 = arith.addi %add3A_98, %mul3A_96 : vector<16xi32>
    %swap3A_100 = arith.constant 48 : index
    %swap3A_101 = tpu.vector_load %arg7[%swap3A_100] {strides = array<i32>} : memref<64xi32, #tpu.memory_space<vmem>>, vector<16xi32>,
    tpu.vector_store %arg7[%swap3A_100], %add3A_99 {strides = array<i32>} : memref<64xi32, #tpu.memory_space<vmem>>, vector<16xi32>,
    "tpu.region"() ({
      %run_scoped3A_208 = tpu.sem_alloc : memref<!tpu.dma_semaphore, #tpu.memory_space<semaphore_mem>>
      %dma_start3A = arith.constant 0 : i32
      %dma_start3A_209 = arith.constant 0 : i32
      %dma_start3A_210 = tpu.memref_slice %arg2[%dma_start3A, %dma_start3A_209] : memref<16384x1024xf32, #tpu.memory_space<hbm>> -> memref<16384x1024xf32, #tpu.memory_space<hbm>>
      tpu.enqueue_indirect_dma source(%dma_start3A_210 : memref<16384x1024xf32, #tpu.memory_space<hbm>>) target(%arg8 : memref<64x1024xf32, #tpu.memory_space<vmem>>) offsets(%arg7 : memref<64xi32, #tpu.memory_space<vmem>>) semaphore(%run_scoped3A_208 : memref<!tpu.dma_semaphore, #tpu.memory_space<semaphore_mem>>)
      %dma_wait3A = arith.constant 0 : i32
      %dma_wait3A_211 = arith.constant 0 : i32
      %dma_wait3A_212 = tpu.memref_slice %arg2[%dma_wait3A, %dma_wait3A_211] : memref<16384x1024xf32, #tpu.memory_space<hbm>> -> memref<16384x1024xf32, #tpu.memory_space<hbm>>
      tpu.wait_indirect_dma semaphore(%run_scoped3A_208 : memref<!tpu.dma_semaphore, #tpu.memory_space<semaphore_mem>>) src(%dma_wait3A_212 : memref<16384x1024xf32, #tpu.memory_space<hbm>>) dst(%arg8 : memref<64x1024xf32, #tpu.memory_space<vmem>>)
      tpu.yield
    }) : () -> ()
    %add3A_102 = arith.constant 0 : i32
    %add3A_103 = arith.addi %add3A_102, %mul3A_2 : i32
    "tpu.region"() ({
      %run_scoped3A_208 = tpu.sem_alloc : memref<!tpu.dma_semaphore, #tpu.memory_space<semaphore_mem>>
      %dma_start3A = arith.constant 0 : i32
      %dma_start3A_209 = tpu.memref_slice %arg5[%add3A_103, %dma_start3A] : memref<4096x1024xf32, #tpu.memory_space<hbm>> -> memref<64x1024xf32, #tpu.memory_space<hbm>>
      %dma_start3A_210 = arith.constant 0 : i32
      %dma_start3A_211 = tpu.memref_slice %arg5[%add3A_103, %dma_start3A_210] : memref<4096x1024xf32, #tpu.memory_space<hbm>> -> memref<64x1024xf32, #tpu.memory_space<hbm>>
      tpu.enqueue_dma source(%arg8 : memref<64x1024xf32, #tpu.memory_space<vmem>>) target(%dma_start3A_211 : memref<64x1024xf32, #tpu.memory_space<hbm>>) target_semaphore(%run_scoped3A_208 : memref<!tpu.dma_semaphore, #tpu.memory_space<semaphore_mem>>)
      %dma_wait3A = arith.constant 0 : i32
      %dma_wait3A_212 = tpu.memref_slice %arg5[%add3A_103, %dma_wait3A] : memref<4096x1024xf32, #tpu.memory_space<hbm>> -> memref<64x1024xf32, #tpu.memory_space<hbm>>
      %dma_wait3A_213 = arith.constant 0 : i32
      %dma_wait3A_214 = tpu.memref_slice %arg5[%add3A_103, %dma_wait3A_213] : memref<4096x1024xf32, #tpu.memory_space<hbm>> -> memref<64x1024xf32, #tpu.memory_space<hbm>>
      tpu.wait_dma2 semaphore(%run_scoped3A_208 : memref<!tpu.dma_semaphore, #tpu.memory_space<semaphore_mem>>) src(%arg8 : memref<64x1024xf32, #tpu.memory_space<vmem>>) dst(%dma_wait3A_214 : memref<64x1024xf32, #tpu.memory_space<hbm>>)
      tpu.yield
    }) : () -> ()
    %add3A_104 = arith.constant 2048 : i32
    %add3A_105 = arith.addi %add3A_104, %mul3A_2 : i32
    %run_scoped3A_106 = arith.constant 1 : i32
    "tpu.region"() ({
      %run_scoped3A_208 = tpu.sem_alloc : memref<!tpu.dma_semaphore, #tpu.memory_space<semaphore_mem>>
      %dma_start3A = tpu.memref_slice %arg3[%run_scoped3A_106, %add3A_105] : memref<2x4096xi32, #tpu.memory_space<hbm>> -> memref<1x64xi32, #tpu.memory_space<hbm>>
      %dma_start3A_209 = tpu.memref_squeeze %dma_start3A : memref<1x64xi32, #tpu.memory_space<hbm>> -> memref<64xi32, #tpu.memory_space<hbm>>
      %dma_start3A_210 = tpu.memref_slice %arg3[%run_scoped3A_106, %add3A_105] : memref<2x4096xi32, #tpu.memory_space<hbm>> -> memref<1x64xi32, #tpu.memory_space<hbm>>
      %dma_start3A_211 = tpu.memref_squeeze %dma_start3A_210 : memref<1x64xi32, #tpu.memory_space<hbm>> -> memref<64xi32, #tpu.memory_space<hbm>>
      tpu.enqueue_dma source(%dma_start3A_211 : memref<64xi32, #tpu.memory_space<hbm>>) target(%arg6 : memref<64xi32, #tpu.memory_space<vmem>>) target_semaphore(%run_scoped3A_208 : memref<!tpu.dma_semaphore, #tpu.memory_space<semaphore_mem>>)
      %dma_wait3A = tpu.memref_slice %arg3[%run_scoped3A_106, %add3A_105] : memref<2x4096xi32, #tpu.memory_space<hbm>> -> memref<1x64xi32, #tpu.memory_space<hbm>>
      %dma_wait3A_212 = tpu.memref_squeeze %dma_wait3A : memref<1x64xi32, #tpu.memory_space<hbm>> -> memref<64xi32, #tpu.memory_space<hbm>>
      %dma_wait3A_213 = tpu.memref_slice %arg3[%run_scoped3A_106, %add3A_105] : memref<2x4096xi32, #tpu.memory_space<hbm>> -> memref<1x64xi32, #tpu.memory_space<hbm>>
      %dma_wait3A_214 = tpu.memref_squeeze %dma_wait3A_213 : memref<1x64xi32, #tpu.memory_space<hbm>> -> memref<64xi32, #tpu.memory_space<hbm>>
      tpu.wait_dma2 semaphore(%run_scoped3A_208 : memref<!tpu.dma_semaphore, #tpu.memory_space<semaphore_mem>>) src(%dma_wait3A_214 : memref<64xi32, #tpu.memory_space<hbm>>) dst(%arg6 : memref<64xi32, #tpu.memory_space<vmem>>)
      tpu.yield
    }) : () -> ()
    %add3A_107 = arith.constant 0 : i32
    %add3A_108 = vector.broadcast %add3A_107 : i32 to vector<16xi32>
    %add3A_109 = arith.addi %iota3A, %add3A_108 : vector<16xi32>
    %gather3A_110 = tpu.vector_load_idx %arg6[%add3A_109] : memref<64xi32, #tpu.memory_space<vmem>>[vector<16xi32>], vector<16xi32>,
    %mul3A_111 = arith.constant 2 : i32
    %mul3A_112 = vector.broadcast %mul3A_111 : i32 to vector<16xi32>
    %mul3A_113 = arith.muli %gather3A_110, %mul3A_112 : vector<16xi32>
    %add3A_114 = arith.constant 8192 : i32
    %add3A_115 = vector.broadcast %add3A_114 : i32 to vector<16xi32>
    %add3A_116 = arith.addi %add3A_115, %mul3A_113 : vector<16xi32>
    %swap3A_117 = arith.constant 0 : index
    %swap3A_118 = tpu.vector_load %arg7[%swap3A_117] {strides = array<i32>} : memref<64xi32, #tpu.memory_space<vmem>>, vector<16xi32>,
    tpu.vector_store %arg7[%swap3A_117], %add3A_116 {strides = array<i32>} : memref<64xi32, #tpu.memory_space<vmem>>, vector<16xi32>,
    %add3A_119 = arith.constant 16 : i32
    %add3A_120 = vector.broadcast %add3A_119 : i32 to vector<16xi32>
    %add3A_121 = arith.addi %iota3A, %add3A_120 : vector<16xi32>
    %gather3A_122 = tpu.vector_load_idx %arg6[%add3A_121] : memref<64xi32, #tpu.memory_space<vmem>>[vector<16xi32>], vector<16xi32>,
    %mul3A_123 = arith.constant 2 : i32
    %mul3A_124 = vector.broadcast %mul3A_123 : i32 to vector<16xi32>
    %mul3A_125 = arith.muli %gather3A_122, %mul3A_124 : vector<16xi32>
    %add3A_126 = arith.constant 8192 : i32
    %add3A_127 = vector.broadcast %add3A_126 : i32 to vector<16xi32>
    %add3A_128 = arith.addi %add3A_127, %mul3A_125 : vector<16xi32>
    %swap3A_129 = arith.constant 16 : index
    %swap3A_130 = tpu.vector_load %arg7[%swap3A_129] {strides = array<i32>} : memref<64xi32, #tpu.memory_space<vmem>>, vector<16xi32>,
    tpu.vector_store %arg7[%swap3A_129], %add3A_128 {strides = array<i32>} : memref<64xi32, #tpu.memory_space<vmem>>, vector<16xi32>,
    %add3A_131 = arith.constant 32 : i32
    %add3A_132 = vector.broadcast %add3A_131 : i32 to vector<16xi32>
    %add3A_133 = arith.addi %iota3A, %add3A_132 : vector<16xi32>
    %gather3A_134 = tpu.vector_load_idx %arg6[%add3A_133] : memref<64xi32, #tpu.memory_space<vmem>>[vector<16xi32>], vector<16xi32>,
    %mul3A_135 = arith.constant 2 : i32
    %mul3A_136 = vector.broadcast %mul3A_135 : i32 to vector<16xi32>
    %mul3A_137 = arith.muli %gather3A_134, %mul3A_136 : vector<16xi32>
    %add3A_138 = arith.constant 8192 : i32
    %add3A_139 = vector.broadcast %add3A_138 : i32 to vector<16xi32>
    %add3A_140 = arith.addi %add3A_139, %mul3A_137 : vector<16xi32>
    %swap3A_141 = arith.constant 32 : index
    %swap3A_142 = tpu.vector_load %arg7[%swap3A_141] {strides = array<i32>} : memref<64xi32, #tpu.memory_space<vmem>>, vector<16xi32>,
    tpu.vector_store %arg7[%swap3A_141], %add3A_140 {strides = array<i32>} : memref<64xi32, #tpu.memory_space<vmem>>, vector<16xi32>,
    %add3A_143 = arith.constant 48 : i32
    %add3A_144 = vector.broadcast %add3A_143 : i32 to vector<16xi32>
    %add3A_145 = arith.addi %iota3A, %add3A_144 : vector<16xi32>
    %gather3A_146 = tpu.vector_load_idx %arg6[%add3A_145] : memref<64xi32, #tpu.memory_space<vmem>>[vector<16xi32>], vector<16xi32>,
    %mul3A_147 = arith.constant 2 : i32
    %mul3A_148 = vector.broadcast %mul3A_147 : i32 to vector<16xi32>
    %mul3A_149 = arith.muli %gather3A_146, %mul3A_148 : vector<16xi32>
    %add3A_150 = arith.constant 8192 : i32
    %add3A_151 = vector.broadcast %add3A_150 : i32 to vector<16xi32>
    %add3A_152 = arith.addi %add3A_151, %mul3A_149 : vector<16xi32>
    %swap3A_153 = arith.constant 48 : index
    %swap3A_154 = tpu.vector_load %arg7[%swap3A_153] {strides = array<i32>} : memref<64xi32, #tpu.memory_space<vmem>>, vector<16xi32>,
    tpu.vector_store %arg7[%swap3A_153], %add3A_152 {strides = array<i32>} : memref<64xi32, #tpu.memory_space<vmem>>, vector<16xi32>,
    "tpu.region"() ({
      %run_scoped3A_208 = tpu.sem_alloc : memref<!tpu.dma_semaphore, #tpu.memory_space<semaphore_mem>>
      %dma_start3A = arith.constant 0 : i32
      %dma_start3A_209 = arith.constant 0 : i32
      %dma_start3A_210 = tpu.memref_slice %arg2[%dma_start3A, %dma_start3A_209] : memref<16384x1024xf32, #tpu.memory_space<hbm>> -> memref<16384x1024xf32, #tpu.memory_space<hbm>>
      tpu.enqueue_indirect_dma source(%dma_start3A_210 : memref<16384x1024xf32, #tpu.memory_space<hbm>>) target(%arg8 : memref<64x1024xf32, #tpu.memory_space<vmem>>) offsets(%arg7 : memref<64xi32, #tpu.memory_space<vmem>>) semaphore(%run_scoped3A_208 : memref<!tpu.dma_semaphore, #tpu.memory_space<semaphore_mem>>)
      %dma_wait3A = arith.constant 0 : i32
      %dma_wait3A_211 = arith.constant 0 : i32
      %dma_wait3A_212 = tpu.memref_slice %arg2[%dma_wait3A, %dma_wait3A_211] : memref<16384x1024xf32, #tpu.memory_space<hbm>> -> memref<16384x1024xf32, #tpu.memory_space<hbm>>
      tpu.wait_indirect_dma semaphore(%run_scoped3A_208 : memref<!tpu.dma_semaphore, #tpu.memory_space<semaphore_mem>>) src(%dma_wait3A_212 : memref<16384x1024xf32, #tpu.memory_space<hbm>>) dst(%arg8 : memref<64x1024xf32, #tpu.memory_space<vmem>>)
      tpu.yield
    }) : () -> ()
    %add3A_155 = arith.constant 6144 : i32
    %add3A_156 = arith.addi %add3A_155, %mul3A_2 : i32
    "tpu.region"() ({
      %run_scoped3A_208 = tpu.sem_alloc : memref<!tpu.dma_semaphore, #tpu.memory_space<semaphore_mem>>
      %dma_start3A = arith.constant 0 : i32
      %dma_start3A_209 = tpu.memref_slice %arg4[%add3A_156, %dma_start3A] : memref<12288x1024xf32, #tpu.memory_space<hbm>> -> memref<64x1024xf32, #tpu.memory_space<hbm>>
      %dma_start3A_210 = arith.constant 0 : i32
      %dma_start3A_211 = tpu.memref_slice %arg4[%add3A_156, %dma_start3A_210] : memref<12288x1024xf32, #tpu.memory_space<hbm>> -> memref<64x1024xf32, #tpu.memory_space<hbm>>
      tpu.enqueue_dma source(%arg8 : memref<64x1024xf32, #tpu.memory_space<vmem>>) target(%dma_start3A_211 : memref<64x1024xf32, #tpu.memory_space<hbm>>) target_semaphore(%run_scoped3A_208 : memref<!tpu.dma_semaphore, #tpu.memory_space<semaphore_mem>>)
      %dma_wait3A = arith.constant 0 : i32
      %dma_wait3A_212 = tpu.memref_slice %arg4[%add3A_156, %dma_wait3A] : memref<12288x1024xf32, #tpu.memory_space<hbm>> -> memref<64x1024xf32, #tpu.memory_space<hbm>>
      %dma_wait3A_213 = arith.constant 0 : i32
      %dma_wait3A_214 = tpu.memref_slice %arg4[%add3A_156, %dma_wait3A_213] : memref<12288x1024xf32, #tpu.memory_space<hbm>> -> memref<64x1024xf32, #tpu.memory_space<hbm>>
      tpu.wait_dma2 semaphore(%run_scoped3A_208 : memref<!tpu.dma_semaphore, #tpu.memory_space<semaphore_mem>>) src(%arg8 : memref<64x1024xf32, #tpu.memory_space<vmem>>) dst(%dma_wait3A_214 : memref<64x1024xf32, #tpu.memory_space<hbm>>)
      tpu.yield
    }) : () -> ()
    %run_scoped3A_157 = arith.constant 1 : i32
    "tpu.region"() ({
      %run_scoped3A_208 = tpu.sem_alloc : memref<!tpu.dma_semaphore, #tpu.memory_space<semaphore_mem>>
      %dma_start3A = tpu.memref_slice %arg3[%run_scoped3A_157, %mul3A_2] : memref<2x4096xi32, #tpu.memory_space<hbm>> -> memref<1x64xi32, #tpu.memory_space<hbm>>
      %dma_start3A_209 = tpu.memref_squeeze %dma_start3A : memref<1x64xi32, #tpu.memory_space<hbm>> -> memref<64xi32, #tpu.memory_space<hbm>>
      %dma_start3A_210 = tpu.memref_slice %arg3[%run_scoped3A_157, %mul3A_2] : memref<2x4096xi32, #tpu.memory_space<hbm>> -> memref<1x64xi32, #tpu.memory_space<hbm>>
      %dma_start3A_211 = tpu.memref_squeeze %dma_start3A_210 : memref<1x64xi32, #tpu.memory_space<hbm>> -> memref<64xi32, #tpu.memory_space<hbm>>
      tpu.enqueue_dma source(%dma_start3A_211 : memref<64xi32, #tpu.memory_space<hbm>>) target(%arg6 : memref<64xi32, #tpu.memory_space<vmem>>) target_semaphore(%run_scoped3A_208 : memref<!tpu.dma_semaphore, #tpu.memory_space<semaphore_mem>>)
      %dma_wait3A = tpu.memref_slice %arg3[%run_scoped3A_157, %mul3A_2] : memref<2x4096xi32, #tpu.memory_space<hbm>> -> memref<1x64xi32, #tpu.memory_space<hbm>>
      %dma_wait3A_212 = tpu.memref_squeeze %dma_wait3A : memref<1x64xi32, #tpu.memory_space<hbm>> -> memref<64xi32, #tpu.memory_space<hbm>>
      %dma_wait3A_213 = tpu.memref_slice %arg3[%run_scoped3A_157, %mul3A_2] : memref<2x4096xi32, #tpu.memory_space<hbm>> -> memref<1x64xi32, #tpu.memory_space<hbm>>
      %dma_wait3A_214 = tpu.memref_squeeze %dma_wait3A_213 : memref<1x64xi32, #tpu.memory_space<hbm>> -> memref<64xi32, #tpu.memory_space<hbm>>
      tpu.wait_dma2 semaphore(%run_scoped3A_208 : memref<!tpu.dma_semaphore, #tpu.memory_space<semaphore_mem>>) src(%dma_wait3A_214 : memref<64xi32, #tpu.memory_space<hbm>>) dst(%arg6 : memref<64xi32, #tpu.memory_space<vmem>>)
      tpu.yield
    }) : () -> ()
    %add3A_158 = arith.constant 0 : i32
    %add3A_159 = vector.broadcast %add3A_158 : i32 to vector<16xi32>
    %add3A_160 = arith.addi %iota3A, %add3A_159 : vector<16xi32>
    %gather3A_161 = tpu.vector_load_idx %arg6[%add3A_160] : memref<64xi32, #tpu.memory_space<vmem>>[vector<16xi32>], vector<16xi32>,
    %mul3A_162 = arith.constant 2 : i32
    %mul3A_163 = vector.broadcast %mul3A_162 : i32 to vector<16xi32>
    %mul3A_164 = arith.muli %gather3A_161, %mul3A_163 : vector<16xi32>
    %add3A_165 = arith.constant 8192 : i32
    %add3A_166 = vector.broadcast %add3A_165 : i32 to vector<16xi32>
    %add3A_167 = arith.addi %add3A_166, %mul3A_164 : vector<16xi32>
    %swap3A_168 = arith.constant 0 : index
    %swap3A_169 = tpu.vector_load %arg7[%swap3A_168] {strides = array<i32>} : memref<64xi32, #tpu.memory_space<vmem>>, vector<16xi32>,
    tpu.vector_store %arg7[%swap3A_168], %add3A_167 {strides = array<i32>} : memref<64xi32, #tpu.memory_space<vmem>>, vector<16xi32>,
    %add3A_170 = arith.constant 16 : i32
    %add3A_171 = vector.broadcast %add3A_170 : i32 to vector<16xi32>
    %add3A_172 = arith.addi %iota3A, %add3A_171 : vector<16xi32>
    %gather3A_173 = tpu.vector_load_idx %arg6[%add3A_172] : memref<64xi32, #tpu.memory_space<vmem>>[vector<16xi32>], vector<16xi32>,
    %mul3A_174 = arith.constant 2 : i32
    %mul3A_175 = vector.broadcast %mul3A_174 : i32 to vector<16xi32>
    %mul3A_176 = arith.muli %gather3A_173, %mul3A_175 : vector<16xi32>
    %add3A_177 = arith.constant 8192 : i32
    %add3A_178 = vector.broadcast %add3A_177 : i32 to vector<16xi32>
    %add3A_179 = arith.addi %add3A_178, %mul3A_176 : vector<16xi32>
    %swap3A_180 = arith.constant 16 : index
    %swap3A_181 = tpu.vector_load %arg7[%swap3A_180] {strides = array<i32>} : memref<64xi32, #tpu.memory_space<vmem>>, vector<16xi32>,
    tpu.vector_store %arg7[%swap3A_180], %add3A_179 {strides = array<i32>} : memref<64xi32, #tpu.memory_space<vmem>>, vector<16xi32>,
    %add3A_182 = arith.constant 32 : i32
    %add3A_183 = vector.broadcast %add3A_182 : i32 to vector<16xi32>
    %add3A_184 = arith.addi %iota3A, %add3A_183 : vector<16xi32>
    %gather3A_185 = tpu.vector_load_idx %arg6[%add3A_184] : memref<64xi32, #tpu.memory_space<vmem>>[vector<16xi32>], vector<16xi32>,
    %mul3A_186 = arith.constant 2 : i32
    %mul3A_187 = vector.broadcast %mul3A_186 : i32 to vector<16xi32>
    %mul3A_188 = arith.muli %gather3A_185, %mul3A_187 : vector<16xi32>
    %add3A_189 = arith.constant 8192 : i32
    %add3A_190 = vector.broadcast %add3A_189 : i32 to vector<16xi32>
    %add3A_191 = arith.addi %add3A_190, %mul3A_188 : vector<16xi32>
    %swap3A_192 = arith.constant 32 : index
    %swap3A_193 = tpu.vector_load %arg7[%swap3A_192] {strides = array<i32>} : memref<64xi32, #tpu.memory_space<vmem>>, vector<16xi32>,
    tpu.vector_store %arg7[%swap3A_192], %add3A_191 {strides = array<i32>} : memref<64xi32, #tpu.memory_space<vmem>>, vector<16xi32>,
    %add3A_194 = arith.constant 48 : i32
    %add3A_195 = vector.broadcast %add3A_194 : i32 to vector<16xi32>
    %add3A_196 = arith.addi %iota3A, %add3A_195 : vector<16xi32>
    %gather3A_197 = tpu.vector_load_idx %arg6[%add3A_196] : memref<64xi32, #tpu.memory_space<vmem>>[vector<16xi32>], vector<16xi32>,
    %mul3A_198 = arith.constant 2 : i32
    %mul3A_199 = vector.broadcast %mul3A_198 : i32 to vector<16xi32>
    %mul3A_200 = arith.muli %gather3A_197, %mul3A_199 : vector<16xi32>
    %add3A_201 = arith.constant 8192 : i32
    %add3A_202 = vector.broadcast %add3A_201 : i32 to vector<16xi32>
    %add3A_203 = arith.addi %add3A_202, %mul3A_200 : vector<16xi32>
    %swap3A_204 = arith.constant 48 : index
    %swap3A_205 = tpu.vector_load %arg7[%swap3A_204] {strides = array<i32>} : memref<64xi32, #tpu.memory_space<vmem>>, vector<16xi32>,
    tpu.vector_store %arg7[%swap3A_204], %add3A_203 {strides = array<i32>} : memref<64xi32, #tpu.memory_space<vmem>>, vector<16xi32>,
    "tpu.region"() ({
      %run_scoped3A_208 = tpu.sem_alloc : memref<!tpu.dma_semaphore, #tpu.memory_space<semaphore_mem>>
      %dma_start3A = arith.constant 0 : i32
      %dma_start3A_209 = arith.constant 0 : i32
      %dma_start3A_210 = tpu.memref_slice %arg2[%dma_start3A, %dma_start3A_209] : memref<16384x1024xf32, #tpu.memory_space<hbm>> -> memref<16384x1024xf32, #tpu.memory_space<hbm>>
      tpu.enqueue_indirect_dma source(%dma_start3A_210 : memref<16384x1024xf32, #tpu.memory_space<hbm>>) target(%arg8 : memref<64x1024xf32, #tpu.memory_space<vmem>>) offsets(%arg7 : memref<64xi32, #tpu.memory_space<vmem>>) semaphore(%run_scoped3A_208 : memref<!tpu.dma_semaphore, #tpu.memory_space<semaphore_mem>>)
      %dma_wait3A = arith.constant 0 : i32
      %dma_wait3A_211 = arith.constant 0 : i32
      %dma_wait3A_212 = tpu.memref_slice %arg2[%dma_wait3A, %dma_wait3A_211] : memref<16384x1024xf32, #tpu.memory_space<hbm>> -> memref<16384x1024xf32, #tpu.memory_space<hbm>>
      tpu.wait_indirect_dma semaphore(%run_scoped3A_208 : memref<!tpu.dma_semaphore, #tpu.memory_space<semaphore_mem>>) src(%dma_wait3A_212 : memref<16384x1024xf32, #tpu.memory_space<hbm>>) dst(%arg8 : memref<64x1024xf32, #tpu.memory_space<vmem>>)
      tpu.yield
    }) : () -> ()
    %add3A_206 = arith.constant 2048 : i32
    %add3A_207 = arith.addi %add3A_206, %mul3A_2 : i32
    "tpu.region"() ({
      %run_scoped3A_208 = tpu.sem_alloc : memref<!tpu.dma_semaphore, #tpu.memory_space<semaphore_mem>>
      %dma_start3A = arith.constant 0 : i32
      %dma_start3A_209 = tpu.memref_slice %arg5[%add3A_207, %dma_start3A] : memref<4096x1024xf32, #tpu.memory_space<hbm>> -> memref<64x1024xf32, #tpu.memory_space<hbm>>
      %dma_start3A_210 = arith.constant 0 : i32
      %dma_start3A_211 = tpu.memref_slice %arg5[%add3A_207, %dma_start3A_210] : memref<4096x1024xf32, #tpu.memory_space<hbm>> -> memref<64x1024xf32, #tpu.memory_space<hbm>>
      tpu.enqueue_dma source(%arg8 : memref<64x1024xf32, #tpu.memory_space<vmem>>) target(%dma_start3A_211 : memref<64x1024xf32, #tpu.memory_space<hbm>>) target_semaphore(%run_scoped3A_208 : memref<!tpu.dma_semaphore, #tpu.memory_space<semaphore_mem>>)
      %dma_wait3A = arith.constant 0 : i32
      %dma_wait3A_212 = tpu.memref_slice %arg5[%add3A_207, %dma_wait3A] : memref<4096x1024xf32, #tpu.memory_space<hbm>> -> memref<64x1024xf32, #tpu.memory_space<hbm>>
      %dma_wait3A_213 = arith.constant 0 : i32
      %dma_wait3A_214 = tpu.memref_slice %arg5[%add3A_207, %dma_wait3A_213] : memref<4096x1024xf32, #tpu.memory_space<hbm>> -> memref<64x1024xf32, #tpu.memory_space<hbm>>
      tpu.wait_dma2 semaphore(%run_scoped3A_208 : memref<!tpu.dma_semaphore, #tpu.memory_space<semaphore_mem>>) src(%arg8 : memref<64x1024xf32, #tpu.memory_space<vmem>>) dst(%dma_wait3A_214 : memref<64x1024xf32, #tpu.memory_space<hbm>>)
      tpu.yield
    }) : () -> ()
    return
  }
}

module attributes {stable_mosaic.version = 14 : i64} {
  func.func @_maxmatch_body(%arg0: i32, %arg1: i32, %arg2: i32, %arg3: memref<1x512x64xf32, #tpu.memory_space<vmem>>, %arg4: memref<1x512x64xf32, #tpu.memory_space<vmem>>, %arg5: memref<1x1x512xf32, #tpu.memory_space<vmem>>, %arg6: memref<1x1x512xi32, #tpu.memory_space<vmem>>) attributes {dimension_semantics = [#tpu.dimension_semantics<arbitrary>, #tpu.dimension_semantics<arbitrary>, #tpu.dimension_semantics<arbitrary>], iteration_bounds = array<i64: 2, 8, 8>, scalar_prefetch = 0 : i64, scratch_operands = 0 : i64, tpu.core_type = #tpu.core_type<tc>, window_params = [{transform_indices = @transform_0, window_bounds = array<i64: 1, 512, 64>}, {transform_indices = @transform_1, window_bounds = array<i64: 1, 512, 64>}, {transform_indices = @transform_2, window_bounds = array<i64: 1, 1, 512>}, {transform_indices = @transform_3, window_bounds = array<i64: 1, 1, 512>}]} {
    %get3A = arith.constant 0 : index
    %get3A_0 = arith.constant 0 : index
    %get3A_1 = arith.constant 0 : index
    %get3A_2 = vector.load %arg4[%get3A, %get3A_0, %get3A_1] : memref<1x512x64xf32, #tpu.memory_space<vmem>>, vector<1x512x64xf32>
    %get3A_3 = vector.shape_cast %get3A_2 : vector<1x512x64xf32> to vector<512x64xf32>
    %get3A_4 = arith.constant 0 : index
    %get3A_5 = arith.constant 0 : index
    %get3A_6 = arith.constant 0 : index
    %get3A_7 = vector.load %arg3[%get3A_4, %get3A_5, %get3A_6] : memref<1x512x64xf32, #tpu.memory_space<vmem>>, vector<1x512x64xf32>
    %get3A_8 = vector.shape_cast %get3A_7 : vector<1x512x64xf32> to vector<512x64xf32>
    %dot_general3A = arith.constant dense<0.000000e+00> : vector<512x512xf32>
    %dot_general3A_9 = tpu.matmul %get3A_8, %get3A_3, %dot_general3A {dimension_numbers = #tpu.dot_dimension_numbers<[1], [1], [0], [0], [0, 0, 1, 0], [], []>, transpose_lhs_hint = false} : vector<512x64xf32>, vector<512x64xf32>, vector<512x512xf32> -> vector<512x512xf32>
    %reduce_max3A = arith.constant dense<0xFF800000> : vector<512xf32>
    %reduce_max3A_10 = vector.multi_reduction <maximumf>, %dot_general3A_9, %reduce_max3A [0] : vector<512x512xf32> to vector<512xf32>
    %broadcast_in_dim3A = vector.shape_cast %reduce_max3A_10 : vector<512xf32> to vector<1x512xf32>
    %iota3A = tpu.iota {dimensions = array<i32: 0>} : vector<512x512xi32>
    %mul3A = arith.constant 512 : i32
    %mul3A_11 = arith.muli %arg2, %mul3A : i32
    %add3A = vector.broadcast %mul3A_11 : i32 to vector<512x512xi32>
    %add3A_12 = arith.addi %iota3A, %add3A : vector<512x512xi32>
    %eq3A = vector.broadcast %broadcast_in_dim3A : vector<1x512xf32> to vector<512x512xf32>
    %eq3A_13 = arith.cmpf oeq, %dot_general3A_9, %eq3A : vector<512x512xf32>
    %jit3A = arith.constant 4096 : i32
    %broadcast_in_dim3A_14 = vector.broadcast %jit3A : i32 to vector<512x512xi32>
    %select_n3A = arith.select %eq3A_13, %add3A_12, %broadcast_in_dim3A_14 : vector<512x512xi1>, vector<512x512xi32>
    %reduce_min3A = arith.constant dense<2147483647> : vector<512xi32>
    %reduce_min3A_15 = vector.multi_reduction <minsi>, %select_n3A, %reduce_min3A [0] : vector<512x512xi32> to vector<512xi32>
    %broadcast_in_dim3A_16 = vector.shape_cast %reduce_min3A_15 : vector<512xi32> to vector<1x512xi32>
    %eq3A_17 = arith.constant 0 : i32
    %eq3A_18 = arith.cmpi eq, %arg2, %eq3A_17 : i32
    %convert_element_type3A = arith.extui %eq3A_18 : i1 to i32
    %cond3A = arith.constant 0 : i32
    %cond3A_19 = arith.cmpi ne, %convert_element_type3A, %cond3A : i32
    scf.if %cond3A_19 {
      %swap3A = arith.constant 0 : index
      %swap3A_24 = arith.constant 0 : index
      %swap3A_25 = arith.constant 0 : index
      %swap3A_26 = vector.load %arg5[%swap3A, %swap3A_24, %swap3A_25] : memref<1x1x512xf32, #tpu.memory_space<vmem>>, vector<1x1x512xf32>
      %swap3A_27 = vector.shape_cast %swap3A_26 : vector<1x1x512xf32> to vector<1x512xf32>
      %swap3A_28 = vector.shape_cast %broadcast_in_dim3A : vector<1x512xf32> to vector<1x1x512xf32>
      tpu.vector_store %arg5[%swap3A, %swap3A_24, %swap3A_25], %swap3A_28 {strides = array<i32>} : memref<1x1x512xf32, #tpu.memory_space<vmem>>, vector<1x1x512xf32>,
      %swap3A_29 = arith.constant 0 : index
      %swap3A_30 = arith.constant 0 : index
      %swap3A_31 = arith.constant 0 : index
      %swap3A_32 = vector.load %arg6[%swap3A_29, %swap3A_30, %swap3A_31] : memref<1x1x512xi32, #tpu.memory_space<vmem>>, vector<1x1x512xi32>
      %swap3A_33 = vector.shape_cast %swap3A_32 : vector<1x1x512xi32> to vector<1x512xi32>
      %swap3A_34 = vector.shape_cast %broadcast_in_dim3A_16 : vector<1x512xi32> to vector<1x1x512xi32>
      tpu.vector_store %arg6[%swap3A_29, %swap3A_30, %swap3A_31], %swap3A_34 {strides = array<i32>} : memref<1x1x512xi32, #tpu.memory_space<vmem>>, vector<1x1x512xi32>,
    } else {
    }
    %gt3A = arith.constant 0 : i32
    %gt3A_20 = arith.cmpi sgt, %arg2, %gt3A : i32
    %convert_element_type3A_21 = arith.extui %gt3A_20 : i1 to i32
    %cond3A_22 = arith.constant 0 : i32
    %cond3A_23 = arith.cmpi ne, %convert_element_type3A_21, %cond3A_22 : i32
    scf.if %cond3A_23 {
      %get3A_24 = arith.constant 0 : index
      %get3A_25 = arith.constant 0 : index
      %get3A_26 = arith.constant 0 : index
      %get3A_27 = vector.load %arg5[%get3A_24, %get3A_25, %get3A_26] : memref<1x1x512xf32, #tpu.memory_space<vmem>>, vector<1x1x512xf32>
      %get3A_28 = vector.shape_cast %get3A_27 : vector<1x1x512xf32> to vector<1x512xf32>
      %gt3A_29 = arith.cmpf ogt, %broadcast_in_dim3A, %get3A_28 : vector<1x512xf32>
      %select_n3A_30 = arith.select %gt3A_29, %broadcast_in_dim3A, %get3A_28 : vector<1x512xi1>, vector<1x512xf32>
      %swap3A = arith.constant 0 : index
      %swap3A_31 = arith.constant 0 : index
      %swap3A_32 = arith.constant 0 : index
      %swap3A_33 = vector.load %arg5[%swap3A, %swap3A_31, %swap3A_32] : memref<1x1x512xf32, #tpu.memory_space<vmem>>, vector<1x1x512xf32>
      %swap3A_34 = vector.shape_cast %swap3A_33 : vector<1x1x512xf32> to vector<1x512xf32>
      %swap3A_35 = vector.shape_cast %select_n3A_30 : vector<1x512xf32> to vector<1x1x512xf32>
      tpu.vector_store %arg5[%swap3A, %swap3A_31, %swap3A_32], %swap3A_35 {strides = array<i32>} : memref<1x1x512xf32, #tpu.memory_space<vmem>>, vector<1x1x512xf32>,
      %get3A_36 = arith.constant 0 : index
      %get3A_37 = arith.constant 0 : index
      %get3A_38 = arith.constant 0 : index
      %get3A_39 = vector.load %arg6[%get3A_36, %get3A_37, %get3A_38] : memref<1x1x512xi32, #tpu.memory_space<vmem>>, vector<1x1x512xi32>
      %get3A_40 = vector.shape_cast %get3A_39 : vector<1x1x512xi32> to vector<1x512xi32>
      %select_n3A_41 = arith.select %gt3A_29, %broadcast_in_dim3A_16, %get3A_40 : vector<1x512xi1>, vector<1x512xi32>
      %swap3A_42 = arith.constant 0 : index
      %swap3A_43 = arith.constant 0 : index
      %swap3A_44 = arith.constant 0 : index
      %swap3A_45 = vector.load %arg6[%swap3A_42, %swap3A_43, %swap3A_44] : memref<1x1x512xi32, #tpu.memory_space<vmem>>, vector<1x1x512xi32>
      %swap3A_46 = vector.shape_cast %swap3A_45 : vector<1x1x512xi32> to vector<1x512xi32>
      %swap3A_47 = vector.shape_cast %select_n3A_41 : vector<1x512xi32> to vector<1x1x512xi32>
      tpu.vector_store %arg6[%swap3A_42, %swap3A_43, %swap3A_44], %swap3A_47 {strides = array<i32>} : memref<1x1x512xi32, #tpu.memory_space<vmem>>, vector<1x1x512xi32>,
    } else {
    }
    return
  }
  func.func @transform_0(%arg0: i32, %arg1: i32, %arg2: i32) -> (i32, i32, i32) {
    %mul3A = arith.constant 8 : i32
    %mul3A_0 = arith.muli %arg0, %mul3A : i32
    %add3A = arith.addi %mul3A_0, %arg2 : i32
    %c0_i32 = arith.constant 0 : i32
    %c0_i32_1 = arith.constant 0 : i32
    %c0_i32_2 = arith.constant 0 : i32
    return %add3A, %c0_i32, %c0_i32_1 : i32, i32, i32
  }
  func.func @transform_1(%arg0: i32, %arg1: i32, %arg2: i32) -> (i32, i32, i32) {
    %mul3A = arith.constant 8 : i32
    %mul3A_0 = arith.muli %arg0, %mul3A : i32
    %add3A = arith.addi %mul3A_0, %arg1 : i32
    %c0_i32 = arith.constant 0 : i32
    %c0_i32_1 = arith.constant 0 : i32
    %c0_i32_2 = arith.constant 0 : i32
    return %add3A, %c0_i32, %c0_i32_1 : i32, i32, i32
  }
  func.func @transform_2(%arg0: i32, %arg1: i32, %arg2: i32) -> (i32, i32, i32) {
    %mul3A = arith.constant 8 : i32
    %mul3A_0 = arith.muli %arg0, %mul3A : i32
    %add3A = arith.addi %mul3A_0, %arg1 : i32
    %c0_i32 = arith.constant 0 : i32
    %c0_i32_1 = arith.constant 0 : i32
    %c0_i32_2 = arith.constant 0 : i32
    return %add3A, %c0_i32, %c0_i32_1 : i32, i32, i32
  }
  func.func @transform_3(%arg0: i32, %arg1: i32, %arg2: i32) -> (i32, i32, i32) {
    %mul3A = arith.constant 8 : i32
    %mul3A_0 = arith.muli %arg0, %mul3A : i32
    %add3A = arith.addi %mul3A_0, %arg1 : i32
    %c0_i32 = arith.constant 0 : i32
    %c0_i32_1 = arith.constant 0 : i32
    %c0_i32_2 = arith.constant 0 : i32
    return %add3A, %c0_i32, %c0_i32_1 : i32, i32, i32
  }
}

module attributes {stable_mosaic.version = 14 : i64} {
  func.func @_rank_body(%arg0: i32, %arg1: i32, %arg2: i32, %arg3: memref<1x512x1xf32, #tpu.memory_space<vmem>>, %arg4: memref<1x1x512xf32, #tpu.memory_space<vmem>>, %arg5: memref<1x1x512xi32, #tpu.memory_space<vmem>>) attributes {dimension_semantics = [#tpu.dimension_semantics<arbitrary>, #tpu.dimension_semantics<arbitrary>, #tpu.dimension_semantics<arbitrary>], iteration_bounds = array<i64: 2, 8, 8>, scalar_prefetch = 0 : i64, scratch_operands = 0 : i64, tpu.core_type = #tpu.core_type<tc>, window_params = [{transform_indices = @transform_0, window_bounds = array<i64: 1, 512, 1>}, {transform_indices = @transform_1, window_bounds = array<i64: 1, 1, 512>}, {transform_indices = @transform_2, window_bounds = array<i64: 1, 1, 512>}]} {
    %get3A = arith.constant 0 : index
    %get3A_0 = arith.constant 0 : index
    %get3A_1 = arith.constant 0 : index
    %get3A_2 = vector.load %arg3[%get3A, %get3A_0, %get3A_1] : memref<1x512x1xf32, #tpu.memory_space<vmem>>, vector<1x512x1xf32>
    %get3A_3 = vector.shape_cast %get3A_2 : vector<1x512x1xf32> to vector<512x1xf32>
    %get3A_4 = arith.constant 0 : index
    %get3A_5 = arith.constant 0 : index
    %get3A_6 = arith.constant 0 : index
    %get3A_7 = vector.load %arg4[%get3A_4, %get3A_5, %get3A_6] : memref<1x1x512xf32, #tpu.memory_space<vmem>>, vector<1x1x512xf32>
    %get3A_8 = vector.shape_cast %get3A_7 : vector<1x1x512xf32> to vector<1x512xf32>
    %iota3A = tpu.iota {dimensions = array<i32: 0>} : vector<512x512xi32>
    %mul3A = arith.constant 512 : i32
    %mul3A_9 = arith.muli %arg2, %mul3A : i32
    %add3A = vector.broadcast %mul3A_9 : i32 to vector<512x512xi32>
    %add3A_10 = arith.addi %iota3A, %add3A : vector<512x512xi32>
    %iota3A_11 = tpu.iota {dimensions = array<i32: 1>} : vector<512x512xi32>
    %mul3A_12 = arith.constant 512 : i32
    %mul3A_13 = arith.muli %arg1, %mul3A_12 : i32
    %add3A_14 = vector.broadcast %mul3A_13 : i32 to vector<512x512xi32>
    %add3A_15 = arith.addi %iota3A_11, %add3A_14 : vector<512x512xi32>
    %gt3A = vector.broadcast %get3A_3 : vector<512x1xf32> to vector<512x512xf32>
    %gt3A_16 = vector.broadcast %get3A_8 : vector<1x512xf32> to vector<512x512xf32>
    %gt3A_17 = arith.cmpf ogt, %gt3A, %gt3A_16 : vector<512x512xf32>
    %eq3A = vector.broadcast %get3A_3 : vector<512x1xf32> to vector<512x512xf32>
    %eq3A_18 = vector.broadcast %get3A_8 : vector<1x512xf32> to vector<512x512xf32>
    %eq3A_19 = arith.cmpf oeq, %eq3A, %eq3A_18 : vector<512x512xf32>
    %lt3A = arith.cmpi slt, %add3A_10, %add3A_15 : vector<512x512xi32>
    %and3A = arith.andi %eq3A_19, %lt3A : vector<512x512xi1>
    %or3A = arith.ori %gt3A_17, %and3A : vector<512x512xi1>
    %convert_element_type3A = arith.extui %or3A : vector<512x512xi1> to vector<512x512xi32>
    %reduce_sum3A = arith.constant dense<0> : vector<512xi32>
    %reduce_sum3A_20 = vector.multi_reduction <add>, %convert_element_type3A, %reduce_sum3A [0] : vector<512x512xi32> to vector<512xi32>
    %broadcast_in_dim3A = vector.shape_cast %reduce_sum3A_20 : vector<512xi32> to vector<1x512xi32>
    %eq3A_21 = arith.constant 0 : i32
    %eq3A_22 = arith.cmpi eq, %arg2, %eq3A_21 : i32
    %convert_element_type3A_23 = arith.extui %eq3A_22 : i1 to i32
    %cond3A = arith.constant 0 : i32
    %cond3A_24 = arith.cmpi ne, %convert_element_type3A_23, %cond3A : i32
    scf.if %cond3A_24 {
      %swap3A = arith.constant 0 : index
      %swap3A_30 = arith.constant 0 : index
      %swap3A_31 = arith.constant 0 : index
      %swap3A_32 = vector.load %arg5[%swap3A, %swap3A_30, %swap3A_31] : memref<1x1x512xi32, #tpu.memory_space<vmem>>, vector<1x1x512xi32>
      %swap3A_33 = vector.shape_cast %swap3A_32 : vector<1x1x512xi32> to vector<1x512xi32>
      %swap3A_34 = vector.shape_cast %broadcast_in_dim3A : vector<1x512xi32> to vector<1x1x512xi32>
      tpu.vector_store %arg5[%swap3A, %swap3A_30, %swap3A_31], %swap3A_34 {strides = array<i32>} : memref<1x1x512xi32, #tpu.memory_space<vmem>>, vector<1x1x512xi32>,
    } else {
    }
    %gt3A_25 = arith.constant 0 : i32
    %gt3A_26 = arith.cmpi sgt, %arg2, %gt3A_25 : i32
    %convert_element_type3A_27 = arith.extui %gt3A_26 : i1 to i32
    %cond3A_28 = arith.constant 0 : i32
    %cond3A_29 = arith.cmpi ne, %convert_element_type3A_27, %cond3A_28 : i32
    scf.if %cond3A_29 {
      %get3A_30 = arith.constant 0 : index
      %get3A_31 = arith.constant 0 : index
      %get3A_32 = arith.constant 0 : index
      %get3A_33 = vector.load %arg5[%get3A_30, %get3A_31, %get3A_32] : memref<1x1x512xi32, #tpu.memory_space<vmem>>, vector<1x1x512xi32>
      %get3A_34 = vector.shape_cast %get3A_33 : vector<1x1x512xi32> to vector<1x512xi32>
      %add3A_35 = arith.addi %get3A_34, %broadcast_in_dim3A : vector<1x512xi32>
      %swap3A = arith.constant 0 : index
      %swap3A_36 = arith.constant 0 : index
      %swap3A_37 = arith.constant 0 : index
      %swap3A_38 = vector.load %arg5[%swap3A, %swap3A_36, %swap3A_37] : memref<1x1x512xi32, #tpu.memory_space<vmem>>, vector<1x1x512xi32>
      %swap3A_39 = vector.shape_cast %swap3A_38 : vector<1x1x512xi32> to vector<1x512xi32>
      %swap3A_40 = vector.shape_cast %add3A_35 : vector<1x512xi32> to vector<1x1x512xi32>
      tpu.vector_store %arg5[%swap3A, %swap3A_36, %swap3A_37], %swap3A_40 {strides = array<i32>} : memref<1x1x512xi32, #tpu.memory_space<vmem>>, vector<1x1x512xi32>,
    } else {
    }
    return
  }
  func.func @transform_0(%arg0: i32, %arg1: i32, %arg2: i32) -> (i32, i32, i32) {
    %mul3A = arith.constant 8 : i32
    %mul3A_0 = arith.muli %arg0, %mul3A : i32
    %add3A = arith.addi %mul3A_0, %arg2 : i32
    %c0_i32 = arith.constant 0 : i32
    %c0_i32_1 = arith.constant 0 : i32
    %c0_i32_2 = arith.constant 0 : i32
    return %add3A, %c0_i32, %c0_i32_1 : i32, i32, i32
  }
  func.func @transform_1(%arg0: i32, %arg1: i32, %arg2: i32) -> (i32, i32, i32) {
    %mul3A = arith.constant 8 : i32
    %mul3A_0 = arith.muli %arg0, %mul3A : i32
    %add3A = arith.addi %mul3A_0, %arg1 : i32
    %c0_i32 = arith.constant 0 : i32
    %c0_i32_1 = arith.constant 0 : i32
    %c0_i32_2 = arith.constant 0 : i32
    return %add3A, %c0_i32, %c0_i32_1 : i32, i32, i32
  }
  func.func @transform_2(%arg0: i32, %arg1: i32, %arg2: i32) -> (i32, i32, i32) {
    %mul3A = arith.constant 8 : i32
    %mul3A_0 = arith.muli %arg0, %mul3A : i32
    %add3A = arith.addi %mul3A_0, %arg1 : i32
    %c0_i32 = arith.constant 0 : i32
    %c0_i32_1 = arith.constant 0 : i32
    %c0_i32_2 = arith.constant 0 : i32
    return %add3A, %c0_i32, %c0_i32_1 : i32, i32, i32
  }
}

module attributes {stable_mosaic.version = 14 : i64} {
  func.func @_invdval_body(%arg0: i32, %arg1: i32, %arg2: i32, %arg3: memref<1x512x1xi32, #tpu.memory_space<vmem>>, %arg4: memref<1x512x1xi32, #tpu.memory_space<vmem>>, %arg5: memref<1x1x512xi32, #tpu.memory_space<vmem>>, %arg6: memref<1x1x512xi32, #tpu.memory_space<vmem>>) attributes {dimension_semantics = [#tpu.dimension_semantics<arbitrary>, #tpu.dimension_semantics<arbitrary>, #tpu.dimension_semantics<arbitrary>], iteration_bounds = array<i64: 2, 8, 8>, scalar_prefetch = 0 : i64, scratch_operands = 0 : i64, tpu.core_type = #tpu.core_type<tc>, window_params = [{transform_indices = @transform_0, window_bounds = array<i64: 1, 512, 1>}, {transform_indices = @transform_1, window_bounds = array<i64: 1, 512, 1>}, {transform_indices = @transform_2, window_bounds = array<i64: 1, 1, 512>}, {transform_indices = @transform_3, window_bounds = array<i64: 1, 1, 512>}]} {
    %get3A = arith.constant 0 : index
    %get3A_0 = arith.constant 0 : index
    %get3A_1 = arith.constant 0 : index
    %get3A_2 = vector.load %arg3[%get3A, %get3A_0, %get3A_1] : memref<1x512x1xi32, #tpu.memory_space<vmem>>, vector<1x512x1xi32>
    %get3A_3 = vector.shape_cast %get3A_2 : vector<1x512x1xi32> to vector<512x1xi32>
    %get3A_4 = arith.constant 0 : index
    %get3A_5 = arith.constant 0 : index
    %get3A_6 = arith.constant 0 : index
    %get3A_7 = vector.load %arg4[%get3A_4, %get3A_5, %get3A_6] : memref<1x512x1xi32, #tpu.memory_space<vmem>>, vector<1x512x1xi32>
    %get3A_8 = vector.shape_cast %get3A_7 : vector<1x512x1xi32> to vector<512x1xi32>
    %iota3A = tpu.iota {dimensions = array<i32: 1>} : vector<512x512xi32>
    %mul3A = arith.constant 512 : i32
    %mul3A_9 = arith.muli %arg1, %mul3A : i32
    %add3A = vector.broadcast %mul3A_9 : i32 to vector<512x512xi32>
    %add3A_10 = arith.addi %iota3A, %add3A : vector<512x512xi32>
    %iota3A_11 = tpu.iota {dimensions = array<i32: 0>} : vector<512x512xi32>
    %mul3A_12 = arith.constant 512 : i32
    %mul3A_13 = arith.muli %arg2, %mul3A_12 : i32
    %add3A_14 = vector.broadcast %mul3A_13 : i32 to vector<512x512xi32>
    %add3A_15 = arith.addi %iota3A_11, %add3A_14 : vector<512x512xi32>
    %eq3A = vector.broadcast %get3A_3 : vector<512x1xi32> to vector<512x512xi32>
    %eq3A_16 = arith.cmpi eq, %eq3A, %add3A_10 : vector<512x512xi32>
    %convert_element_type3A = arith.extui %eq3A_16 : vector<512x512xi1> to vector<512x512xi32>
    %mul3A_17 = arith.muli %convert_element_type3A, %add3A_15 : vector<512x512xi32>
    %reduce_sum3A = arith.constant dense<0> : vector<512xi32>
    %reduce_sum3A_18 = vector.multi_reduction <add>, %mul3A_17, %reduce_sum3A [0] : vector<512x512xi32> to vector<512xi32>
    %broadcast_in_dim3A = vector.shape_cast %reduce_sum3A_18 : vector<512xi32> to vector<1x512xi32>
    %mul3A_19 = vector.broadcast %get3A_8 : vector<512x1xi32> to vector<512x512xi32>
    %mul3A_20 = arith.muli %convert_element_type3A, %mul3A_19 : vector<512x512xi32>
    %reduce_sum3A_21 = arith.constant dense<0> : vector<512xi32>
    %reduce_sum3A_22 = vector.multi_reduction <add>, %mul3A_20, %reduce_sum3A_21 [0] : vector<512x512xi32> to vector<512xi32>
    %broadcast_in_dim3A_23 = vector.shape_cast %reduce_sum3A_22 : vector<512xi32> to vector<1x512xi32>
    %eq3A_24 = arith.constant 0 : i32
    %eq3A_25 = arith.cmpi eq, %arg2, %eq3A_24 : i32
    %convert_element_type3A_26 = arith.extui %eq3A_25 : i1 to i32
    %cond3A = arith.constant 0 : i32
    %cond3A_27 = arith.cmpi ne, %convert_element_type3A_26, %cond3A : i32
    scf.if %cond3A_27 {
      %swap3A = arith.constant 0 : index
      %swap3A_32 = arith.constant 0 : index
      %swap3A_33 = arith.constant 0 : index
      %swap3A_34 = vector.load %arg5[%swap3A, %swap3A_32, %swap3A_33] : memref<1x1x512xi32, #tpu.memory_space<vmem>>, vector<1x1x512xi32>
      %swap3A_35 = vector.shape_cast %swap3A_34 : vector<1x1x512xi32> to vector<1x512xi32>
      %swap3A_36 = vector.shape_cast %broadcast_in_dim3A : vector<1x512xi32> to vector<1x1x512xi32>
      tpu.vector_store %arg5[%swap3A, %swap3A_32, %swap3A_33], %swap3A_36 {strides = array<i32>} : memref<1x1x512xi32, #tpu.memory_space<vmem>>, vector<1x1x512xi32>,
      %swap3A_37 = arith.constant 0 : index
      %swap3A_38 = arith.constant 0 : index
      %swap3A_39 = arith.constant 0 : index
      %swap3A_40 = vector.load %arg6[%swap3A_37, %swap3A_38, %swap3A_39] : memref<1x1x512xi32, #tpu.memory_space<vmem>>, vector<1x1x512xi32>
      %swap3A_41 = vector.shape_cast %swap3A_40 : vector<1x1x512xi32> to vector<1x512xi32>
      %swap3A_42 = vector.shape_cast %broadcast_in_dim3A_23 : vector<1x512xi32> to vector<1x1x512xi32>
      tpu.vector_store %arg6[%swap3A_37, %swap3A_38, %swap3A_39], %swap3A_42 {strides = array<i32>} : memref<1x1x512xi32, #tpu.memory_space<vmem>>, vector<1x1x512xi32>,
    } else {
    }
    %gt3A = arith.constant 0 : i32
    %gt3A_28 = arith.cmpi sgt, %arg2, %gt3A : i32
    %convert_element_type3A_29 = arith.extui %gt3A_28 : i1 to i32
    %cond3A_30 = arith.constant 0 : i32
    %cond3A_31 = arith.cmpi ne, %convert_element_type3A_29, %cond3A_30 : i32
    scf.if %cond3A_31 {
      %get3A_32 = arith.constant 0 : index
      %get3A_33 = arith.constant 0 : index
      %get3A_34 = arith.constant 0 : index
      %get3A_35 = vector.load %arg5[%get3A_32, %get3A_33, %get3A_34] : memref<1x1x512xi32, #tpu.memory_space<vmem>>, vector<1x1x512xi32>
      %get3A_36 = vector.shape_cast %get3A_35 : vector<1x1x512xi32> to vector<1x512xi32>
      %add3A_37 = arith.addi %get3A_36, %broadcast_in_dim3A : vector<1x512xi32>
      %swap3A = arith.constant 0 : index
      %swap3A_38 = arith.constant 0 : index
      %swap3A_39 = arith.constant 0 : index
      %swap3A_40 = vector.load %arg5[%swap3A, %swap3A_38, %swap3A_39] : memref<1x1x512xi32, #tpu.memory_space<vmem>>, vector<1x1x512xi32>
      %swap3A_41 = vector.shape_cast %swap3A_40 : vector<1x1x512xi32> to vector<1x512xi32>
      %swap3A_42 = vector.shape_cast %add3A_37 : vector<1x512xi32> to vector<1x1x512xi32>
      tpu.vector_store %arg5[%swap3A, %swap3A_38, %swap3A_39], %swap3A_42 {strides = array<i32>} : memref<1x1x512xi32, #tpu.memory_space<vmem>>, vector<1x1x512xi32>,
      %get3A_43 = arith.constant 0 : index
      %get3A_44 = arith.constant 0 : index
      %get3A_45 = arith.constant 0 : index
      %get3A_46 = vector.load %arg6[%get3A_43, %get3A_44, %get3A_45] : memref<1x1x512xi32, #tpu.memory_space<vmem>>, vector<1x1x512xi32>
      %get3A_47 = vector.shape_cast %get3A_46 : vector<1x1x512xi32> to vector<1x512xi32>
      %add3A_48 = arith.addi %get3A_47, %broadcast_in_dim3A_23 : vector<1x512xi32>
      %swap3A_49 = arith.constant 0 : index
      %swap3A_50 = arith.constant 0 : index
      %swap3A_51 = arith.constant 0 : index
      %swap3A_52 = vector.load %arg6[%swap3A_49, %swap3A_50, %swap3A_51] : memref<1x1x512xi32, #tpu.memory_space<vmem>>, vector<1x1x512xi32>
      %swap3A_53 = vector.shape_cast %swap3A_52 : vector<1x1x512xi32> to vector<1x512xi32>
      %swap3A_54 = vector.shape_cast %add3A_48 : vector<1x512xi32> to vector<1x1x512xi32>
      tpu.vector_store %arg6[%swap3A_49, %swap3A_50, %swap3A_51], %swap3A_54 {strides = array<i32>} : memref<1x1x512xi32, #tpu.memory_space<vmem>>, vector<1x1x512xi32>,
    } else {
    }
    return
  }
  func.func @transform_0(%arg0: i32, %arg1: i32, %arg2: i32) -> (i32, i32, i32) {
    %mul3A = arith.constant 8 : i32
    %mul3A_0 = arith.muli %arg0, %mul3A : i32
    %add3A = arith.addi %mul3A_0, %arg2 : i32
    %c0_i32 = arith.constant 0 : i32
    %c0_i32_1 = arith.constant 0 : i32
    %c0_i32_2 = arith.constant 0 : i32
    return %add3A, %c0_i32, %c0_i32_1 : i32, i32, i32
  }
  func.func @transform_1(%arg0: i32, %arg1: i32, %arg2: i32) -> (i32, i32, i32) {
    %mul3A = arith.constant 8 : i32
    %mul3A_0 = arith.muli %arg0, %mul3A : i32
    %add3A = arith.addi %mul3A_0, %arg2 : i32
    %c0_i32 = arith.constant 0 : i32
    %c0_i32_1 = arith.constant 0 : i32
    %c0_i32_2 = arith.constant 0 : i32
    return %add3A, %c0_i32, %c0_i32_1 : i32, i32, i32
  }
  func.func @transform_2(%arg0: i32, %arg1: i32, %arg2: i32) -> (i32, i32, i32) {
    %mul3A = arith.constant 8 : i32
    %mul3A_0 = arith.muli %arg0, %mul3A : i32
    %add3A = arith.addi %mul3A_0, %arg1 : i32
    %c0_i32 = arith.constant 0 : i32
    %c0_i32_1 = arith.constant 0 : i32
    %c0_i32_2 = arith.constant 0 : i32
    return %add3A, %c0_i32, %c0_i32_1 : i32, i32, i32
  }
  func.func @transform_3(%arg0: i32, %arg1: i32, %arg2: i32) -> (i32, i32, i32) {
    %mul3A = arith.constant 8 : i32
    %mul3A_0 = arith.muli %arg0, %mul3A : i32
    %add3A = arith.addi %mul3A_0, %arg1 : i32
    %c0_i32 = arith.constant 0 : i32
    %c0_i32_1 = arith.constant 0 : i32
    %c0_i32_2 = arith.constant 0 : i32
    return %add3A, %c0_i32, %c0_i32_1 : i32, i32, i32
  }
}

module attributes {stable_mosaic.version = 14 : i64} {
  func.func @_segsum_body(%arg0: i32, %arg1: i32, %arg2: i32, %arg3: memref<1x1x512xi32, #tpu.memory_space<vmem>>, %arg4: memref<1x512x1024xf32, #tpu.memory_space<vmem>>, %arg5: memref<1x512x2048xf32, #tpu.memory_space<vmem>>, %arg6: memref<2x6144x1024xf32, #tpu.memory_space<hbm>>, %arg7: memref<1x512x1024xf32, #tpu.memory_space<vmem>>, %arg8: memref<512x128xf32, #tpu.memory_space<vmem>>) attributes {dimension_semantics = [#tpu.dimension_semantics<arbitrary>, #tpu.dimension_semantics<arbitrary>, #tpu.dimension_semantics<arbitrary>], iteration_bounds = array<i64: 2, 8, 4>, scalar_prefetch = 0 : i64, scratch_operands = 1 : i64, tpu.core_type = #tpu.core_type<tc>, window_params = [{transform_indices = @transform_0, window_bounds = array<i64: 1, 1, 512>}, {transform_indices = @transform_1, window_bounds = array<i64: 1, 512, 1024>}, {transform_indices = @transform_2, window_bounds = array<i64: 1, 512, 2048>}, {}, {transform_indices = @transform_4, window_bounds = array<i64: 1, 512, 1024>}]} {
    %get3A = arith.constant 0 : index
    %get3A_0 = arith.constant 0 : index
    %get3A_1 = arith.constant 0 : index
    %get3A_2 = vector.load %arg3[%get3A, %get3A_0, %get3A_1] : memref<1x1x512xi32, #tpu.memory_space<vmem>>, vector<1x1x512xi32>
    %get3A_3 = vector.shape_cast %get3A_2 : vector<1x1x512xi32> to vector<1x512xi32>
    %get3A_4 = arith.constant 0 : index
    %get3A_5 = arith.constant 0 : index
    %get3A_6 = arith.constant 0 : index
    %get3A_7 = vector.load %arg4[%get3A_4, %get3A_5, %get3A_6] : memref<1x512x1024xf32, #tpu.memory_space<vmem>>, vector<1x512x1024xf32>
    %get3A_8 = vector.shape_cast %get3A_7 : vector<1x512x1024xf32> to vector<512x1024xf32>
    %iota3A = tpu.iota {dimensions = array<i32: 0>} : vector<512x512xi32>
    %mul3A = arith.constant 512 : i32
    %mul3A_9 = arith.muli %arg1, %mul3A : i32
    %add3A = vector.broadcast %mul3A_9 : i32 to vector<512x512xi32>
    %add3A_10 = arith.addi %iota3A, %add3A : vector<512x512xi32>
    %eq3A = vector.broadcast %get3A_3 : vector<1x512xi32> to vector<512x512xi32>
    %eq3A_11 = arith.cmpi eq, %eq3A, %add3A_10 : vector<512x512xi32>
    %convert_element_type3A = arith.extui %eq3A_11 : vector<512x512xi1> to vector<512x512xi32>
    %convert_element_type3A_12 = arith.sitofp %convert_element_type3A : vector<512x512xi32> to vector<512x512xf32>
    %dot_general3A = arith.constant dense<0.000000e+00> : vector<512x1024xf32>
    %dot_general3A_13 = tpu.matmul %convert_element_type3A_12, %get3A_8, %dot_general3A {dimension_numbers = #tpu.dot_dimension_numbers<[1], [0], [0], [1], [0, 0, 1, 1], [], []>, transpose_lhs_hint = false} : vector<512x512xf32>, vector<512x1024xf32>, vector<512x1024xf32> -> vector<512x1024xf32>
    %reduce_sum3A = arith.constant dense<0.000000e+00> : vector<512xf32>
    %reduce_sum3A_14 = vector.multi_reduction <add>, %convert_element_type3A_12, %reduce_sum3A [1] : vector<512x512xf32> to vector<512xf32>
    %broadcast_in_dim3A = vector.shape_cast %reduce_sum3A_14 : vector<512xf32> to vector<512x1xf32>
    %broadcast_in_dim3A_15 = vector.shape_cast %broadcast_in_dim3A : vector<512x1xf32> to vector<512x1xf32>
    %broadcast_in_dim3A_16 = vector.broadcast %broadcast_in_dim3A_15 : vector<512x1xf32> to vector<512x128xf32>
    %eq3A_17 = arith.constant 0 : i32
    %eq3A_18 = arith.cmpi eq, %arg2, %eq3A_17 : i32
    %convert_element_type3A_19 = arith.extui %eq3A_18 : i1 to i32
    %cond3A = arith.constant 0 : i32
    %cond3A_20 = arith.cmpi ne, %convert_element_type3A_19, %cond3A : i32
    scf.if %cond3A_20 {
      %swap3A = arith.constant 0 : index
      %swap3A_30 = arith.constant 0 : index
      %swap3A_31 = arith.constant 0 : index
      %swap3A_32 = vector.load %arg7[%swap3A, %swap3A_30, %swap3A_31] : memref<1x512x1024xf32, #tpu.memory_space<vmem>>, vector<1x512x1024xf32>
      %swap3A_33 = vector.shape_cast %swap3A_32 : vector<1x512x1024xf32> to vector<512x1024xf32>
      %swap3A_34 = vector.shape_cast %dot_general3A_13 : vector<512x1024xf32> to vector<1x512x1024xf32>
      tpu.vector_store %arg7[%swap3A, %swap3A_30, %swap3A_31], %swap3A_34 {strides = array<i32>} : memref<1x512x1024xf32, #tpu.memory_space<vmem>>, vector<1x512x1024xf32>,
      %swap3A_35 = arith.constant 0 : index
      %swap3A_36 = arith.constant 0 : index
      %swap3A_37 = vector.load %arg8[%swap3A_35, %swap3A_36] : memref<512x128xf32, #tpu.memory_space<vmem>>, vector<512x128xf32>
      tpu.vector_store %arg8[%swap3A_35, %swap3A_36], %broadcast_in_dim3A_16 {strides = array<i32>} : memref<512x128xf32, #tpu.memory_space<vmem>>, vector<512x128xf32>,
    } else {
    }
    %gt3A = arith.constant 0 : i32
    %gt3A_21 = arith.cmpi sgt, %arg2, %gt3A : i32
    %convert_element_type3A_22 = arith.extui %gt3A_21 : i1 to i32
    %cond3A_23 = arith.constant 0 : i32
    %cond3A_24 = arith.cmpi ne, %convert_element_type3A_22, %cond3A_23 : i32
    scf.if %cond3A_24 {
      %get3A_30 = arith.constant 0 : index
      %get3A_31 = arith.constant 0 : index
      %get3A_32 = arith.constant 0 : index
      %get3A_33 = vector.load %arg7[%get3A_30, %get3A_31, %get3A_32] : memref<1x512x1024xf32, #tpu.memory_space<vmem>>, vector<1x512x1024xf32>
      %get3A_34 = vector.shape_cast %get3A_33 : vector<1x512x1024xf32> to vector<512x1024xf32>
      %add3A_35 = arith.addf %get3A_34, %dot_general3A_13 : vector<512x1024xf32>
      %swap3A = arith.constant 0 : index
      %swap3A_36 = arith.constant 0 : index
      %swap3A_37 = arith.constant 0 : index
      %swap3A_38 = vector.load %arg7[%swap3A, %swap3A_36, %swap3A_37] : memref<1x512x1024xf32, #tpu.memory_space<vmem>>, vector<1x512x1024xf32>
      %swap3A_39 = vector.shape_cast %swap3A_38 : vector<1x512x1024xf32> to vector<512x1024xf32>
      %swap3A_40 = vector.shape_cast %add3A_35 : vector<512x1024xf32> to vector<1x512x1024xf32>
      tpu.vector_store %arg7[%swap3A, %swap3A_36, %swap3A_37], %swap3A_40 {strides = array<i32>} : memref<1x512x1024xf32, #tpu.memory_space<vmem>>, vector<1x512x1024xf32>,
      %get3A_41 = arith.constant 0 : index
      %get3A_42 = arith.constant 0 : index
      %get3A_43 = vector.load %arg8[%get3A_41, %get3A_42] : memref<512x128xf32, #tpu.memory_space<vmem>>, vector<512x128xf32>
      %add3A_44 = arith.addf %get3A_43, %broadcast_in_dim3A_16 : vector<512x128xf32>
      %swap3A_45 = arith.constant 0 : index
      %swap3A_46 = arith.constant 0 : index
      %swap3A_47 = vector.load %arg8[%swap3A_45, %swap3A_46] : memref<512x128xf32, #tpu.memory_space<vmem>>, vector<512x128xf32>
      tpu.vector_store %arg8[%swap3A_45, %swap3A_46], %add3A_44 {strides = array<i32>} : memref<512x128xf32, #tpu.memory_space<vmem>>, vector<512x128xf32>,
    } else {
    }
    %eq3A_25 = arith.constant 3 : i32
    %eq3A_26 = arith.cmpi eq, %arg2, %eq3A_25 : i32
    %convert_element_type3A_27 = arith.extui %eq3A_26 : i1 to i32
    %cond3A_28 = arith.constant 0 : i32
    %cond3A_29 = arith.cmpi ne, %convert_element_type3A_27, %cond3A_28 : i32
    scf.if %cond3A_29 {
      %get3A_30 = arith.constant 0 : index
      %get3A_31 = arith.constant 0 : index
      %get3A_32 = arith.constant 0 : index
      %get3A_33 = vector.load %arg5[%get3A_30, %get3A_31, %get3A_32] : memref<1x512x2048xf32, #tpu.memory_space<vmem>>, vector<1x512x2048xf32>
      %get3A_34 = vector.shape_cast %get3A_33 : vector<1x512x2048xf32> to vector<512x2048xf32>
      %slice3A = vector.extract_strided_slice %get3A_34 {offsets = [0, 1024], sizes = [512, 1024], strides = [1, 1]} : vector<512x2048xf32> to vector<512x1024xf32>
      %get3A_35 = arith.constant 0 : index
      %get3A_36 = arith.constant 0 : index
      %get3A_37 = vector.load %arg8[%get3A_35, %get3A_36] : memref<512x128xf32, #tpu.memory_space<vmem>>, vector<512x1xf32>
      %add3A_38 = arith.constant 1.000000e+00 : f32
      %add3A_39 = vector.broadcast %add3A_38 : f32 to vector<512x1xf32>
      %add3A_40 = arith.addf %get3A_37, %add3A_39 : vector<512x1xf32>
      %get3A_41 = arith.constant 0 : index
      %get3A_42 = arith.constant 0 : index
      %get3A_43 = arith.constant 0 : index
      %get3A_44 = vector.load %arg7[%get3A_41, %get3A_42, %get3A_43] : memref<1x512x1024xf32, #tpu.memory_space<vmem>>, vector<1x512x1024xf32>
      %get3A_45 = vector.shape_cast %get3A_44 : vector<1x512x1024xf32> to vector<512x1024xf32>
      %add3A_46 = arith.addf %get3A_45, %slice3A : vector<512x1024xf32>
      %div3A = vector.broadcast %add3A_40 : vector<512x1xf32> to vector<512x1024xf32>
      %div3A_47 = arith.divf %add3A_46, %div3A : vector<512x1024xf32>
      %swap3A = arith.constant 0 : index
      %swap3A_48 = arith.constant 0 : index
      %swap3A_49 = arith.constant 0 : index
      %swap3A_50 = vector.load %arg7[%swap3A, %swap3A_48, %swap3A_49] : memref<1x512x1024xf32, #tpu.memory_space<vmem>>, vector<1x512x1024xf32>
      %swap3A_51 = vector.shape_cast %swap3A_50 : vector<1x512x1024xf32> to vector<512x1024xf32>
      %swap3A_52 = vector.shape_cast %div3A_47 : vector<512x1024xf32> to vector<1x512x1024xf32>
      tpu.vector_store %arg7[%swap3A, %swap3A_48, %swap3A_49], %swap3A_52 {strides = array<i32>} : memref<1x512x1024xf32, #tpu.memory_space<vmem>>, vector<1x512x1024xf32>,
    } else {
    }
    return
  }
  func.func @transform_0(%arg0: i32, %arg1: i32, %arg2: i32) -> (i32, i32, i32) {
    %mul3A = arith.constant 4 : i32
    %mul3A_0 = arith.muli %arg0, %mul3A : i32
    %add3A = arith.addi %mul3A_0, %arg2 : i32
    %c0_i32 = arith.constant 0 : i32
    %c0_i32_1 = arith.constant 0 : i32
    %c0_i32_2 = arith.constant 0 : i32
    return %add3A, %c0_i32, %c0_i32_1 : i32, i32, i32
  }
  func.func @transform_1(%arg0: i32, %arg1: i32, %arg2: i32) -> (i32, i32, i32) {
    %mul3A = arith.constant 4 : i32
    %mul3A_0 = arith.muli %arg0, %mul3A : i32
    %add3A = arith.addi %mul3A_0, %arg2 : i32
    %c0_i32 = arith.constant 0 : i32
    %c0_i32_1 = arith.constant 0 : i32
    %c0_i32_2 = arith.constant 0 : i32
    return %add3A, %c0_i32, %c0_i32_1 : i32, i32, i32
  }
  func.func @transform_2(%arg0: i32, %arg1: i32, %arg2: i32) -> (i32, i32, i32) {
    %c0_i32 = arith.constant 0 : i32
    %c0_i32_0 = arith.constant 0 : i32
    return %arg0, %arg1, %c0_i32 : i32, i32, i32
  }
  func.func @transform_4(%arg0: i32, %arg1: i32, %arg2: i32) -> (i32, i32, i32) {
    %add3A = arith.constant 4 : i32
    %add3A_0 = arith.addi %arg1, %add3A : i32
    %c0_i32 = arith.constant 0 : i32
    %c0_i32_1 = arith.constant 0 : i32
    return %arg0, %add3A_0, %c0_i32 : i32, i32, i32
  }
}

</mosaic_0001>

<sc_bundles>
// kernel: kernel.7.cloned.1.call-start
scs
__scs_entry_jumppad:
0x0: {  	(pc) =	sbr.rel $0x88, $3  }
0x1: {  	(tag) =	ssettag $0x0;
	lr =	simm.s32 $0x1  }
0x2: {  	[smem:$0x3F9F] =	sst lr;
	_ =	strace $0xD0000000  }
0x3: {  	_ = 	snop  }
0x4: {  	_ = 	snop  }
0x5: {  	_ = 	snop  }
0x6: {  	_ = 	snop  }
0x7: {  	_ = 	snop  }
__scs_overlays_trampoline_lowered:
0x8: {  	[smem:$0x3FAE] =	sst s0  }
0x9: {  	[smem:$0x3FAF] =	sst s1  }
0xa: {  	[smem:$0x3FB0] =	sst s2  }
0xb: {  	[smem:$0x3FB1] =	sst s3  }
0xc: {  	[smem:$0x3FB2] =	sst s4  }
0xd: {  	[smem:$0x3FB3] =	sst s5  }
0xe: {  	[smem:$0x3FB4] =	sst s6  }
0xf: {  	[smem:$0x3FB5] =	sst s7  }
0x10: {  	[smem:$0x3FB6] =	sst s8  }
0x11: {  	[smem:$0x3FB7] =	sst s9;
	s0 =	simm.s32 @!p0 $0x0  }
0x12: {  	s1 =	sld [smem:$0x3F9D];
	s0 =	simm.s32 @p0 $0x1  }
0x13: {  	[smem:$0x3FB8] =	sst s0;
	s0 =	simm.s32 @!p1 $0x0  }
0x14: {  	s2 =	sld [smem:$0x3F9C];
	s0 =	simm.s32 @p1 $0x1  }
0x15: {  	[smem:$0x3FB9] =	sst s0;
	s0 =	simm.s32 @!p2 $0x0  }
0x16: {  	s3 =	sld [smem:$0x3FDB];
	s0 =	simm.s32 @p2 $0x1  }
0x17: {  	s4 =	simm.s32 $0x1BF5;
	[smem:$0x3FBB] =	sst s0  }
0x18: {  	s0 =	sld [smem:$0x3F9E];
	_ =	swait.ge [sflag:s4], $0x0  }
0x19: {  	s7 =	sld [smem:$0x3F9F]  }
0x1a: {  	s8 =	sadd.s32 $0xFFFFE003, lr  }
0x1b: {  	s9 =	sadd.s32 $0xFFFFFEF7, lr;
	s5 =	simm.s32 $0xFFFFFFFF;
	p2 =	slt.u32 s8, $0xFFFFF086  }
0x1c: {  	p1 =	slt.u32 s9, $0xF7A;
	s5 =	simm.s32 @!p2 $0x0  }
0x1d: {  	s5 =	simm.s32 @p1 $0x1;
	p0 =	seq.s32 s7, s2  }
0x1e: {  	s7 =	smul.u32 @!p0 $0xF7A, s2;
	p2 =	seq.s32 @!p0 s5, $0x0  }
0x1f: {  	s9 =	smul.u32 $0xF7A, s1;
	s8 =	simm.s32 @!p0 $0x1BF5;
	p2 =	por !p2, p0  }
0x20: {  	[sflag:s8] =	ssyncset.s32 @!p0 $0xFFFFF086;
	s6 =	sadd.s32 @!p0 s3, s7;
	s7 =	simm.s32 @!p0 $0x108  }
0x21: {  	s3 =	sadd.s32 s3, s9;
	s6 =	sadd.s32 @!p0 $0x88, s6;
	s7 =	simm.s32 @p2 $0x1082  }
0x22: {  	[simem:s7], [sflag:s8] =	dma.local @!p0 [hbm:s6], $0xF7A  }
0x23: {  	s9 =	sor.u32 $0xD0000000, s2;
	s6 =	simm.s32 $0x108;
	_ =	swait.ge @!p0 [sflag:s8], $0x0  }
0x24: {  	s3 =	sadd.s32 $0x88, s3;
	s6 =	simm.s32 @!p1 $0x1082;
	[sflag:s4] =	ssyncset.s32 $0xFFFFF086  }
0x25: {  	[simem:s6], [sflag:s4] =	dma.local [hbm:s3], $0xF7A  }
0x26: {  	[smem:$0x3F9F] =	sst s1;
	(tag) =	ssettag s2;
	_ =	strace s9  }
0x27: {  	s1 =	sld [smem:$0x3FAF]  }
0x28: {  	s2 =	sld [smem:$0x3FB0]  }
0x29: {  	s4 =	sld [smem:$0x3FB2]  }
0x2a: {  	p0 =	seq.s32 s5, $0x0;
	s5 =	sld [smem:$0x3FB3]  }
0x2b: {  	s6 =	sld [smem:$0x3FB4]  }
0x2c: {  	s7 =	sld [smem:$0x3FB5]  }
0x2d: {  	s3 =	simm.s32 $0x108;
	s8 =	sld [smem:$0x3FB6]  }
0x2e: {  	s3 =	simm.s32 @!p0 $0x1082;
	s9 =	sld [smem:$0x3FB7]  }
0x2f: {  	lr =	sadd.s32 s0, s3;
	s0 =	sld [smem:$0x3FAE]  }
0x30: {  	s3 =	sld [smem:$0x3FB1]  }
0x31: {  	[smem:$0x3FBA] =	sst s10  }
0x32: {  	s10 =	sld [smem:$0x3FB8];
	_ =	sdelay $0x3  }
0x33: {  	p0 =	seq.s32 s10, $0x1;
	s10 =	sld [smem:$0x3FBA];
	_ =	sdelay $0x3  }
0x34: {  	[smem:$0x3FBA] =	sst s10  }
0x35: {  	s10 =	sld [smem:$0x3FB9];
	_ =	sdelay $0x3  }
0x36: {  	p1 =	seq.s32 s10, $0x1;
	s10 =	sld [smem:$0x3FBA];
	_ =	sdelay $0x3  }
0x37: {  	[smem:$0x3FBA] =	sst s10  }
0x38: {  	s10 =	sld [smem:$0x3FBB]  }
0x39: {  	_ = 	snop;
	(pc) =	sbr.ind lr, $3  }
0x3a: {  	_ = 	snop  }
0x3b: {  	_ = 	snop  }
0x3c: {  	p2 =	seq.s32 s10, $0x1;
	s10 =	sld [smem:$0x3FBA]  }
0x3d: {  	_ =	shalt  }
0x3e: {  	_ =	shalt  }
0x3f: {  	_ =	shalt  }
0x40: {  	_ =	shalt  }
0x41: {  	_ =	shalt  }
0x42: {  	_ =	shalt  }
0x43: {  	_ =	shalt  }
0x44: {  	_ =	shalt  }
0x45: {  	_ =	shalt  }
0x46: {  	_ =	shalt  }
0x47: {  	_ =	shalt  }
0x48: {  	_ =	shalt  }
0x49: {  	_ =	shalt  }
0x4a: {  	_ =	shalt  }
0x4b: {  	_ =	shalt  }
0x4c: {  	_ =	shalt  }
0x4d: {  	_ =	shalt  }
0x4e: {  	_ =	shalt  }
0x4f: {  	_ =	shalt  }
0x50: {  	_ =	shalt  }
0x51: {  	_ =	shalt  }
0x52: {  	_ =	shalt  }
0x53: {  	_ =	shalt  }
0x54: {  	_ =	shalt  }
0x55: {  	_ =	shalt  }
0x56: {  	_ =	shalt  }
0x57: {  	_ =	shalt  }
0x58: {  	_ =	shalt  }
0x59: {  	_ =	shalt  }
0x5a: {  	_ =	shalt  }
0x5b: {  	_ =	shalt  }
0x5c: {  	_ =	shalt  }
0x5d: {  	_ =	shalt  }
0x5e: {  	_ =	shalt  }
0x5f: {  	_ =	shalt  }
0x60: {  	_ =	shalt  }
0x61: {  	_ =	shalt  }
0x62: {  	_ =	shalt  }
0x63: {  	_ =	shalt  }
0x64: {  	_ =	shalt  }
0x65: {  	_ =	shalt  }
0x66: {  	_ =	shalt  }
0x67: {  	_ =	shalt  }
0x68: {  	_ =	shalt  }
0x69: {  	_ =	shalt  }
0x6a: {  	_ =	shalt  }
0x6b: {  	_ =	shalt  }
0x6c: {  	_ =	shalt  }
0x6d: {  	_ =	shalt  }
0x6e: {  	_ =	shalt  }
0x6f: {  	_ =	shalt  }
0x70: {  	_ =	shalt  }
0x71: {  	_ =	shalt  }
0x72: {  	_ =	shalt  }
0x73: {  	_ =	shalt  }
0x74: {  	_ =	shalt  }
0x75: {  	_ =	shalt  }
0x76: {  	_ =	shalt  }
0x77: {  	_ =	shalt  }
0x78: {  	_ =	shalt  }
0x79: {  	_ =	shalt  }
0x7a: {  	_ =	shalt  }
0x7b: {  	_ =	shalt  }
0x7c: {  	_ =	shalt  }
0x7d: {  	_ =	shalt  }
0x7e: {  	_ =	shalt  }
0x7f: {  	_ =	shalt  }
0x80: {  	_ =	shalt  }
0x81: {  	_ =	shalt  }
0x82: {  	_ =	shalt  }
0x83: {  	_ =	shalt  }
0x84: {  	_ =	shalt  }
0x85: {  	_ =	shalt  }
0x86: {  	_ =	shalt  }
0x87: {  	_ =	shalt  }
.Lfunc_end0:
.L_simem_size_0:
called_computation_lowered:
.L_overlay_start_0:
0x88: {  	s2 =	sld [smem:$0x3FD9]  }
0x89: {  	s3 =	sld [smem:$0x3FFE];
	_ =	sdelay $0x1  }
0x8a: {  	s1 =	srdreg.scid  }
0x8b: {  	s0 =	sand.u32 $0x1, s1  }
0x8c: {  	s17 =	sshll.u32 s0, $0xA;
	s2 =	sadd.s32 s3, s2  }
0x8d: {  	s2 =	sadd.s32 s2, s17  }
0x8e: {  	[smem:$0x3FC6] =	sst s2  }
0x8f: {  	_ = 	snop  }
0x90: {  	s2 =	sld [smem:$0x3FC9]  }
0x91: {  	s18 =	sld [smem:$0x3FD0];
	(tm) =	ssettm $0x1  }
0x92: {  	s4 =	sld [smem:$0x3FFB];
	_ =	sdelay $0x3  }
0x93: {  	_ =	strace s4  }
0x94: {  	s4 =	sld [smem:$0x3FFC];
	_ =	sdelay $0x3  }
0x95: {  	_ =	strace s4  }
0x96: {  	s4 =	sld [smem:$0x3FFD];
	_ =	sdelay $0x3  }
0x97: {  	_ =	strace s4  }
0x98: {  	_ =	strace $0x8FFFFFFF  }
0x99: {  	s19 =	sld [smem:$0x3FDB];
	_ =	sdelay $0x1  }
0x9a: {  	s5 =	simm.s32 $_scs_section_size  }
0x9b: {  	s6 =	simm.s32 $_size__tile_overlayer_lowered;
	s7 =	simm.s32 $_tile_overlayer_lowered  }
0x9c: {  	s22 =	simm.s32 $0x1BFF;
	s21 =	sshll.u32 s7, $0x1;
	s4 =	sadd.s32 s5, s19  }
0x9d: {  	s8 =	simm.s32 $0x0;
	s20 =	sshll.u32 s6, $0x1;
	s6 =	sadd.s32 s21, s4  }
0x9e: {  	[timem:s8], [sflag:s22] =	dma.local [hbm:s6], s20  }
0x9f: {  	_ =	swait.ge [sflag:s22], s20  }
0xa0: {  	s5 =	ssub.s32 $0x0, s20;
	[sflag:s22] =	ssyncset.done $0x0  }
0xa1: {  	[sflag:s22] =	ssyncadd.s32 s5;
	_ =	sdelay $0x1  }
0xa2: {  	s23 =	simm.s32 $0x1B8B  }
0xa3: {  	_ =	swait.ge [sflag:s23], $0x1  }
0xa4: {  	[sflag:s23] =	ssyncset.done $0x0  }
0xa5: {  	s25 =	simm.s32 $0x1B8E;
	s24 =	sld [smem:$0x3FFE];
	[sflag:s23] =	ssyncadd.s32 $0xFFFFFFFF  }
0xa6: {  	s26 =	simm.s32 $execute0_lowered;
	[smem:$0x3FD2] =	sst s25  }
0xa7: {  	s6 =	sshll.u32 s26, $0x1;
	_ =	strace $0x80000046;
	[dreg:$0x1] =	wrdreg $0xFFFFFFFF  }
0xa8: {  	s28 =	simm.s32 $_size_execute0_lowered;
	s4 =	sadd.s32 s4, s6;
	[dreg:$0x0] =	wrdreg $0x0  }
0xa9: {  	s6 =	sshll.u32 s28, $0x1;
	[dreg:$0x2] =	wrdreg s4  }
0xaa: {  	[dreg:$0x3] =	wrdreg s6  }
0xab: {  	[dreg:$0x4] =	wrdreg $0xC0  }
0xac: {  	_ =	task [dreg:s8], $0x5FFFF  }
0xad: {  	[dreg:$0x1] =	wrdreg $0xFFFFFFFF  }
0xae: {  	[dreg:$0x0] =	wrdreg $0x60  }
0xaf: {  	[dreg:$0x2] =	wrdreg s2  }
0xb0: {  	[dreg:$0x3] =	wrdreg s24  }
0xb1: {  	[dreg:$0x4] =	wrdreg s18  }
0xb2: {  	[dreg:$0x5] =	wrdreg $0x9  }
0xb3: {  	_ =	task.clear_ibuf [dreg:s8], $0x6FFFF;
	_ =	strace $0x90000046  }
0xb4: {  	s29 =	simm.s32 $0x9;
	_ =	strace $0x80000048  }
0xb5: {  	_ =	swait.ge [sflag:s29], $0x1  }
0xb6: {  	[sflag:s29] =	ssyncadd.s32 $0xFFFFFFFF  }
0xb7: {  	_ =	strace $0x90000048  }
0xb8: {  	_ =	sfence  }
0xb9: {  	s30 =	sld [smem:$0x0];
	_ =	sdelay $0x2  }
0xba: {  	s31 =	sshll.u32 s1, $0xD;
	s1 =	sshrl.u32 s1, $0x2  }
0xbb: {  	s3 =	sand.u32 $0x4000, s31;
	s1 =	sadd.s32 s1, s30  }
0xbc: {  	s0 =	sor.u32 s3, s0;
	s1 =	sshll.u32 s1, $0x11  }
0xbd: {  	s0 =	sor.u32 s1, s0  }
0xbe: {  	s0 =	sadd.s32 $0x8F2B, s0  }
0xbf: {  	[sflag:s0] =	ssyncadd.remote.s32 $0x1  }
0xc0: {  	_ =	sfence.sel $0xFFFF  }
0xc1: {  	[dreg:$0x0] =	wrdreg $0xFFFFFFFF;
	(pc) =	sbr.abs _section_cstart, $3  }
0xc2: {  	[dreg:$0x1] =	wrdreg $0xFFFFFFFF  }
0xc3: {  	_ =	task.clear_ibuf [dreg:s8], $0x2FFFF;
	_ =	strace $0x9FFFFFFF  }
0xc4: {  	(tm) =	ssettm $0x7FFFFFFF  }
0xc5: {  	_ =	shalt  }
tec
execute0_lowered:
.L_overlay_start_1:
0x0: {  	(tag) =	ssettag $0x1  }
0x1: {  	s1 =	rddreg [dreg:$0x0]  }
0x2: {  	s0 =	srdreg.scid;
	s2 =	rddreg [dreg:$0x1]  }
0x3: {  	s3 =	stileid.u32;
	s5 =	rddreg [dreg:$0x2]  }
0x4: {  	s29 =	simm.s32 $0x100;
	s0 =	sand.u32 $0x1, s0;
	s6 =	sshll.u32 s3, $0x6  }
0x5: {  	s3 =	simm.s32 $0x0;
	s10 =	sadd.s32 $0x400, s2;
	s4 =	sshll.u32 s0, $0xA  }
0x6: {  	[smem:$0x7FF] =	sst s3;
	s0 =	ssub.s32 $0x2, s0;
	s7 =	sor.u32 s6, s4  }
0x7: {  	_ =	strace $0x80000047;
	s6 =	sand.u32 $0x40, s6;
	s12 =	sshrl.u32 s0, $0x1  }
0x8: {  	s8 =	sor.u32 $0x800, s7;
	s11 =	sshll.u32 s7, $0x1;
	s0 =	ssub.s32 s0, s12  }
0x9: {  	s7 =	sshll.u32 s7, $0x7;
	s9 =	sshll.u32 s8, $0x1;
	s13 =	sand.u32 $0xF00, s11  }
0xa: {  	s25 =	sadd.s32 s5, s7;
	s7 =	sadd.s32 s10, s7;
	s30 =	sshll.u32 s8, $0x7  }
0xb: {  	s8 =	smax.u32 s0, $0x1;
	s23 =	sand.u32 $0x1F00, s9;
	[dreg:$0x6] =	wrdreg s7  }
0xc: {  	s24 =	sor.u32 s6, s13;
	s9 =	sor.u32 s6, s9;
	[dreg:$0xb] =	wrdreg s25  }
0xd: {  	s28 =	sadd.s32 $0xC0000, s25;
	s31 =	sadd.s32 s10, s30;
	s7 =	sadd.s32 $0x300, s1  }
0xe: {  	s4 =	sor.u32 s6, s23;
	s12 =	sshrl.u32 s24, $0x3;
	[dreg:$0x8] =	wrdreg s28  }
0xf: {  	s26 =	sshrl.u32 s9, $0x3;
	s6 =	sor.u32 s6, s11;
	[dreg:$0xa] =	wrdreg s31  }
0x10: {  	s4 =	sshrl.u32 s4, $0x3;
	s12 =	sadd.s32 s2, s12;
	s5 =	sor.u32 $0x10, s26  }
0x11: {  	v0 =	vlaneseq.u32;
	s6 =	sshrl.u32 s6, $0x3;
	s4 =	sadd.s32 s2, s4;
	[dreg:$0x5] =	wrdreg s12  }
0x12: {  	vm0 =	vmmov $0xffff;
	v1 =	vor.u32 $0x10, v0;
	s5 =	sadd.s32 s2, s5;
	s6 =	sor.u32 $0x10, s6;
	[dreg:$0x4] =	wrdreg s4  }
0x13: {  	v2 =	vor.u32 $0x20, v0;
	v3 =	vor.u32 $0x30, v0;
	v5 =	vshrl.u32 v0, $0x3;
	s9 =	simm.s32 $0x1;
	[dreg:$0x7] =	wrdreg s5;
	s2 =	sadd.s32 s2, s6  }
0x14: {  	v4 =	vand.u32 $0x7, v0;
	v6 =	vor.u32 $0x8, v0;
	v5 =	vmul.u32 $0x8, v5;
	s4 =	sadd.s32 $0x100, s1;
	s6 =	sadd.s32 $0x200, s1;
	[dreg:$0x9] =	wrdreg s2  }
.LBB2_1:
0x15: {  	s19 =	rddreg [dreg:$0x4]  }
0x16: {  	[tilespmem:s3], [sflag:$0x1] =	stream.linear.gather [hbm4b:s19+s3], $0x40, $0x38;
	[tilespmem:$0x10100] =	vst v63  }
0x17: {  	_ =	swait.ge [sflag:s9], $0x40  }
0x18: {  	[sflag:s9] =	ssyncset.done $0x0  }
0x19: {  	[sflag:s9] =	ssyncadd.s32 $0xFFFFFFC0  }
0x1a: {  	v7 =	vld.idx.msk [tilespmem:v0+s3+$0x0], $0xffff;
	_ =	sdelay $0x4  }
0x1b: {  	v8 =	vshll.u32 v7, $0x1  }
0x1c: {  	[tilespmem:$0x80] =	vst v8  }
0x1d: {  	v9 =	vld.idx.msk [tilespmem:v1+s3+$0x0], $0xffff;
	_ =	sdelay $0x4  }
0x1e: {  	v9 =	vshll.u32 v9, $0x1  }
0x1f: {  	[tilespmem:$0x90] =	vst v9  }
0x20: {  	v9 =	vld.idx.msk [tilespmem:v2+s3+$0x0], $0xffff;
	_ =	sdelay $0x3  }
0x21: {  	v7 =	vshll.u32 v7, $0x4  }
0x22: {  	v8 =	vand.u32 $0x6, v8;
	v7 =	vand.u32 $0xFFFFFFC0, v7;
	v9 =	vshll.u32 v9, $0x1  }
0x23: {  	v7 =	vor.u32 v8, v7;
	[tilespmem:$0xA0] =	vst v9  }
0x24: {  	v59 =	vperm.xlane v7, v4;
	v8 =	vld.idx.msk [tilespmem:v3+s3+$0x0], $0xffff;
	_ =	sdelay $0x1  }
0x25: {  	v9 =	vadd.s32 v5, v59;
	_ =	sdelay $0x2  }
0x26: {  	v8 =	vshll.u32 v8, $0x1  }
0x27: {  	[tilespmem:$0xB0] =	vst v8  }
0x28: {  	[tilespmem:s29], [sflag:$0x1] =	stream.indirect_vreg.gather [hbm4b:s1+s3], $0x80, v9, vm0, $0xb8;
	[tilespmem:$0x10100] =	vst v63  }
0x29: {  	s0 =	simm.s32 $0x900;
	v7 =	vperm.xlane v7, v6  }
0x2a: {  	[tilespmem:s0], [sflag:$0x1] =	stream.indirect_vreg.gather [hbm4b:s4+s3], $0x80, v9, vm0, $0xb8;
	[tilespmem:$0x10100] =	vst v63  }
0x2b: {  	s15 =	simm.s32 $0x1100;
	v7 =	vadd.s32 v5, v7  }
0x2c: {  	[tilespmem:s15], [sflag:$0x1] =	stream.indirect_vreg.gather [hbm4b:s6+s3], $0x80, v9, vm0, $0xb8;
	[tilespmem:$0x10100] =	vst v63  }
0x2d: {  	s16 =	simm.s32 $0x1900  }
0x2e: {  	[tilespmem:s16], [sflag:$0x1] =	stream.indirect_vreg.gather [hbm4b:s7+s3], $0x80, v9, vm0, $0xb8;
	[tilespmem:$0x10100] =	vst v63  }
0x2f: {  	s17 =	simm.s32 $0x2100  }
0x30: {  	[tilespmem:s17], [sflag:$0x1] =	stream.indirect_vreg.gather [hbm4b:s1+s3], $0x80, v7, vm0, $0xb8;
	[tilespmem:$0x10100] =	vst v63  }
0x31: {  	s18 =	simm.s32 $0x2900  }
0x32: {  	[tilespmem:s18], [sflag:$0x1] =	stream.indirect_vreg.gather [hbm4b:s4+s3], $0x80, v7, vm0, $0xb8;
	[tilespmem:$0x10100] =	vst v63  }
0x33: {  	s19 =	simm.s32 $0x3100  }
0x34: {  	[tilespmem:s19], [sflag:$0x1] =	stream.indirect_vreg.gather [hbm4b:s6+s3], $0x80, v7, vm0, $0xb8;
	[tilespmem:$0x10100] =	vst v63  }
0x35: {  	s20 =	simm.s32 $0x3900  }
0x36: {  	[tilespmem:s20], [sflag:$0x1] =	stream.indirect_vreg.gather [hbm4b:s7+s3], $0x80, v7, vm0, $0xb8;
	[tilespmem:$0x10100] =	vst v63  }
0x37: {  	v7 =	vld [tilespmem:$0x90];
	_ =	sdelay $0x4  }
0x38: {  	v8 =	vshll.u32 v7, $0x3  }
0x39: {  	v7 =	vand.u32 $0x7, v7;
	v8 =	vand.u32 $0xFFFFFFC0, v8  }
0x3a: {  	v7 =	vor.u32 v7, v8  }
0x3b: {  	v8 =	vperm.xlane v7, v4;
	_ =	sdelay $0x1  }
0x3c: {  	v8 =	vadd.s32 v5, v8;
	_ =	sdelay $0x3  }
0x3d: {  	s21 =	simm.s32 $0x4100  }
0x3e: {  	[tilespmem:s21], [sflag:$0x1] =	stream.indirect_vreg.gather [hbm4b:s1+s3], $0x80, v8, vm0, $0xb8;
	[tilespmem:$0x10100] =	vst v63  }
0x3f: {  	s22 =	simm.s32 $0x4900;
	v7 =	vperm.xlane v7, v6  }
0x40: {  	[tilespmem:s22], [sflag:$0x1] =	stream.indirect_vreg.gather [hbm4b:s4+s3], $0x80, v8, vm0, $0xb8;
	[tilespmem:$0x10100] =	vst v63  }
0x41: {  	s23 =	simm.s32 $0x5100;
	v7 =	vadd.s32 v5, v7  }
0x42: {  	[tilespmem:s23], [sflag:$0x1] =	stream.indirect_vreg.gather [hbm4b:s6+s3], $0x80, v8, vm0, $0xb8;
	[tilespmem:$0x10100] =	vst v63  }
0x43: {  	s24 =	simm.s32 $0x5900  }
0x44: {  	[tilespmem:s24], [sflag:$0x1] =	stream.indirect_vreg.gather [hbm4b:s7+s3], $0x80, v8, vm0, $0xb8;
	[tilespmem:$0x10100] =	vst v63  }
0x45: {  	s25 =	simm.s32 $0x6100  }
0x46: {  	[tilespmem:s25], [sflag:$0x1] =	stream.indirect_vreg.gather [hbm4b:s1+s3], $0x80, v7, vm0, $0xb8;
	[tilespmem:$0x10100] =	vst v63  }
0x47: {  	s26 =	simm.s32 $0x6900  }
0x48: {  	[tilespmem:s26], [sflag:$0x1] =	stream.indirect_vreg.gather [hbm4b:s4+s3], $0x80, v7, vm0, $0xb8;
	[tilespmem:$0x10100] =	vst v63  }
0x49: {  	s28 =	simm.s32 $0x7100  }
0x4a: {  	[tilespmem:s28], [sflag:$0x1] =	stream.indirect_vreg.gather [hbm4b:s6+s3], $0x80, v7, vm0, $0xb8;
	[tilespmem:$0x10100] =	vst v63  }
0x4b: {  	s30 =	simm.s32 $0x7900  }
0x4c: {  	[tilespmem:s30], [sflag:$0x1] =	stream.indirect_vreg.gather [hbm4b:s7+s3], $0x80, v7, vm0, $0xb8;
	[tilespmem:$0x10100] =	vst v63  }
0x4d: {  	v7 =	vld [tilespmem:$0xA0];
	_ =	sdelay $0x4  }
0x4e: {  	v8 =	vshll.u32 v7, $0x3  }
0x4f: {  	v7 =	vand.u32 $0x7, v7;
	v8 =	vand.u32 $0xFFFFFFC0, v8  }
0x50: {  	v7 =	vor.u32 v7, v8  }
0x51: {  	v8 =	vperm.xlane v7, v4;
	_ =	sdelay $0x1  }
0x52: {  	v8 =	vadd.s32 v5, v8;
	_ =	sdelay $0x3  }
0x53: {  	s31 =	simm.s32 $0x8100  }
0x54: {  	[tilespmem:s31], [sflag:$0x1] =	stream.indirect_vreg.gather [hbm4b:s1+s3], $0x80, v8, vm0, $0xb8;
	[tilespmem:$0x10100] =	vst v63  }
0x55: {  	s16 =	simm.s32 $0x8900;
	v7 =	vperm.xlane v7, v6  }
0x56: {  	[tilespmem:s16], [sflag:$0x1] =	stream.indirect_vreg.gather [hbm4b:s4+s3], $0x80, v8, vm0, $0xb8;
	[tilespmem:$0x10100] =	vst v63  }
0x57: {  	s17 =	simm.s32 $0x9100;
	v7 =	vadd.s32 v5, v7  }
0x58: {  	[tilespmem:s17], [sflag:$0x1] =	stream.indirect_vreg.gather [hbm4b:s6+s3], $0x80, v8, vm0, $0xb8;
	[tilespmem:$0x10100] =	vst v63  }
0x59: {  	s18 =	simm.s32 $0x9900  }
0x5a: {  	[tilespmem:s18], [sflag:$0x1] =	stream.indirect_vreg.gather [hbm4b:s7+s3], $0x80, v8, vm0, $0xb8;
	[tilespmem:$0x10100] =	vst v63  }
0x5b: {  	s19 =	simm.s32 $0xA100  }
0x5c: {  	[tilespmem:s19], [sflag:$0x1] =	stream.indirect_vreg.gather [hbm4b:s1+s3], $0x80, v7, vm0, $0xb8;
	[tilespmem:$0x10100] =	vst v63  }
0x5d: {  	s20 =	simm.s32 $0xA900  }
0x5e: {  	[tilespmem:s20], [sflag:$0x1] =	stream.indirect_vreg.gather [hbm4b:s4+s3], $0x80, v7, vm0, $0xb8;
	[tilespmem:$0x10100] =	vst v63  }
0x5f: {  	s21 =	simm.s32 $0xB100  }
0x60: {  	[tilespmem:s21], [sflag:$0x1] =	stream.indirect_vreg.gather [hbm4b:s6+s3], $0x80, v7, vm0, $0xb8;
	[tilespmem:$0x10100] =	vst v63  }
0x61: {  	s22 =	simm.s32 $0xB900  }
0x62: {  	[tilespmem:s22], [sflag:$0x1] =	stream.indirect_vreg.gather [hbm4b:s7+s3], $0x80, v7, vm0, $0xb8;
	[tilespmem:$0x10100] =	vst v63  }
0x63: {  	v7 =	vld [tilespmem:$0xB0];
	_ =	sdelay $0x4  }
0x64: {  	v8 =	vshll.u32 v7, $0x3  }
0x65: {  	v7 =	vand.u32 $0x7, v7;
	v8 =	vand.u32 $0xFFFFFFC0, v8  }
0x66: {  	v7 =	vor.u32 v7, v8  }
0x67: {  	v8 =	vperm.xlane v7, v4;
	_ =	sdelay $0x1  }
0x68: {  	v8 =	vadd.s32 v5, v8;
	_ =	sdelay $0x3  }
0x69: {  	s23 =	simm.s32 $0xC100  }
0x6a: {  	[tilespmem:s23], [sflag:$0x1] =	stream.indirect_vreg.gather [hbm4b:s1+s3], $0x80, v8, vm0, $0xb8;
	[tilespmem:$0x10100] =	vst v63  }
0x6b: {  	s25 =	simm.s32 $0xC900;
	v7 =	vperm.xlane v7, v6  }
0x6c: {  	[tilespmem:s25], [sflag:$0x1] =	stream.indirect_vreg.gather [hbm4b:s4+s3], $0x80, v8, vm0, $0xb8;
	[tilespmem:$0x10100] =	vst v63  }
0x6d: {  	s26 =	simm.s32 $0xD100;
	v7 =	vadd.s32 v5, v7  }
0x6e: {  	[tilespmem:s26], [sflag:$0x1] =	stream.indirect_vreg.gather [hbm4b:s6+s3], $0x80, v8, vm0, $0xb8;
	[tilespmem:$0x10100] =	vst v63  }
0x6f: {  	s30 =	simm.s32 $0xD900  }
0x70: {  	[tilespmem:s30], [sflag:$0x1] =	stream.indirect_vreg.gather [hbm4b:s7+s3], $0x80, v8, vm0, $0xb8;
	[tilespmem:$0x10100] =	vst v63  }
0x71: {  	s31 =	simm.s32 $0xE100  }
0x72: {  	[tilespmem:s31], [sflag:$0x1] =	stream.indirect_vreg.gather [hbm4b:s1+s3], $0x80, v7, vm0, $0xb8;
	[tilespmem:$0x10100] =	vst v63  }
0x73: {  	s0 =	simm.s32 $0xE900  }
0x74: {  	[tilespmem:s0], [sflag:$0x1] =	stream.indirect_vreg.gather [hbm4b:s4+s3], $0x80, v7, vm0, $0xb8;
	[tilespmem:$0x10100] =	vst v63  }
0x75: {  	s16 =	simm.s32 $0xF100  }
0x76: {  	[tilespmem:s16], [sflag:$0x1] =	stream.indirect_vreg.gather [hbm4b:s6+s3], $0x80, v7, vm0, $0xb8;
	[tilespmem:$0x10100] =	vst v63  }
0x77: {  	s17 =	simm.s32 $0xF900  }
0x78: {  	[tilespmem:s17], [sflag:$0x1] =	stream.indirect_vreg.gather [hbm4b:s7+s3], $0x80, v7, vm0, $0xb8;
	[tilespmem:$0x10100] =	vst v63  }
0x79: {  	_ =	swait.ge [sflag:s9], $0x10000  }
0x7a: {  	[sflag:s9] =	ssyncset.done $0x0  }
0x7b: {  	s18 =	rddreg [dreg:$0xb];
	[sflag:s9] =	ssyncadd.s32 $0xFFFF0000  }
0x7c: {  	[hbm4b:s18+s3] =	stream.linear.scatter [tilespmem:s29], [sflag:$0x1], $0x10000, $0x38;
	[tilespmem:$0x10100] =	vst v63  }
0x7d: {  	_ =	swait.ge [sflag:s9], $0x10000  }
0x7e: {  	[sflag:s9] =	ssyncset.done $0x0  }
0x7f: {  	s20 =	rddreg [dreg:$0x5];
	[sflag:s9] =	ssyncadd.s32 $0xFFFF0000  }
0x80: {  	[tilespmem:s3], [sflag:$0x1] =	stream.linear.gather [hbm4b:s20+s3], $0x40, $0x38;
	[tilespmem:$0x10100] =	vst v63  }
0x81: {  	_ =	swait.ge [sflag:s9], $0x40  }
0x82: {  	[sflag:s9] =	ssyncset.done $0x0  }
0x83: {  	[sflag:s9] =	ssyncadd.s32 $0xFFFFFFC0  }
0x84: {  	v7 =	vld.idx.msk [tilespmem:v0+s3+$0x0], $0xffff;
	_ =	sdelay $0x4  }
0x85: {  	v8 =	vshll.u32 v7, $0x1  }
0x86: {  	[tilespmem:$0x80] =	vst v8  }
0x87: {  	v60 =	vld.idx.msk [tilespmem:v1+s3+$0x0], $0xffff;
	_ =	sdelay $0x4  }
0x88: {  	v9 =	vshll.u32 v60, $0x1  }
0x89: {  	[tilespmem:$0x90] =	vst v9  }
0x8a: {  	v9 =	vld.idx.msk [tilespmem:v2+s3+$0x0], $0xffff;
	_ =	sdelay $0x3  }
0x8b: {  	v7 =	vshll.u32 v7, $0x4  }
0x8c: {  	v8 =	vand.u32 $0x6, v8;
	v7 =	vand.u32 $0xFFFFFFC0, v7;
	v9 =	vshll.u32 v9, $0x1  }
0x8d: {  	v7 =	vor.u32 v8, v7;
	[tilespmem:$0xA0] =	vst v9  }
0x8e: {  	v61 =	vperm.xlane v7, v4;
	v8 =	vld.idx.msk [tilespmem:v3+s3+$0x0], $0xffff;
	_ =	sdelay $0x1  }
0x8f: {  	v9 =	vadd.s32 v5, v61;
	_ =	sdelay $0x2  }
0x90: {  	v8 =	vshll.u32 v8, $0x1  }
0x91: {  	[tilespmem:$0xB0] =	vst v8  }
0x92: {  	[tilespmem:s29], [sflag:$0x1] =	stream.indirect_vreg.gather [hbm4b:s1+s3], $0x80, v9, vm0, $0xb8;
	[tilespmem:$0x10100] =	vst v63  }
0x93: {  	s14 =	simm.s32 $0x900;
	v7 =	vperm.xlane v7, v6  }
0x94: {  	[tilespmem:s14], [sflag:$0x1] =	stream.indirect_vreg.gather [hbm4b:s4+s3], $0x80, v9, vm0, $0xb8;
	[tilespmem:$0x10100] =	vst v63  }
0x95: {  	s2 =	simm.s32 $0x1100;
	v7 =	vadd.s32 v5, v7  }
0x96: {  	[tilespmem:s2], [sflag:$0x1] =	stream.indirect_vreg.gather [hbm4b:s6+s3], $0x80, v9, vm0, $0xb8;
	[tilespmem:$0x10100] =	vst v63  }
0x97: {  	s5 =	simm.s32 $0x1900  }
0x98: {  	[tilespmem:s5], [sflag:$0x1] =	stream.indirect_vreg.gather [hbm4b:s7+s3], $0x80, v9, vm0, $0xb8;
	[tilespmem:$0x10100] =	vst v63  }
0x99: {  	s10 =	simm.s32 $0x2100  }
0x9a: {  	[tilespmem:s10], [sflag:$0x1] =	stream.indirect_vreg.gather [hbm4b:s1+s3], $0x80, v7, vm0, $0xb8;
	[tilespmem:$0x10100] =	vst v63  }
0x9b: {  	s11 =	simm.s32 $0x2900  }
0x9c: {  	[tilespmem:s11], [sflag:$0x1] =	stream.indirect_vreg.gather [hbm4b:s4+s3], $0x80, v7, vm0, $0xb8;
	[tilespmem:$0x10100] =	vst v63  }
0x9d: {  	s12 =	simm.s32 $0x3100  }
0x9e: {  	[tilespmem:s12], [sflag:$0x1] =	stream.indirect_vreg.gather [hbm4b:s6+s3], $0x80, v7, vm0, $0xb8;
	[tilespmem:$0x10100] =	vst v63  }
0x9f: {  	s15 =	simm.s32 $0x3900  }
0xa0: {  	[tilespmem:s15], [sflag:$0x1] =	stream.indirect_vreg.gather [hbm4b:s7+s3], $0x80, v7, vm0, $0xb8;
	[tilespmem:$0x10100] =	vst v63  }
0xa1: {  	v7 =	vld [tilespmem:$0x90];
	_ =	sdelay $0x4  }
0xa2: {  	v8 =	vshll.u32 v7, $0x3  }
0xa3: {  	v7 =	vand.u32 $0x7, v7;
	v8 =	vand.u32 $0xFFFFFFC0, v8  }
0xa4: {  	v7 =	vor.u32 v7, v8  }
0xa5: {  	v8 =	vperm.xlane v7, v4;
	_ =	sdelay $0x1  }
0xa6: {  	v8 =	vadd.s32 v5, v8;
	_ =	sdelay $0x3  }
0xa7: {  	s16 =	simm.s32 $0x4100  }
0xa8: {  	[tilespmem:s16], [sflag:$0x1] =	stream.indirect_vreg.gather [hbm4b:s1+s3], $0x80, v8, vm0, $0xb8;
	[tilespmem:$0x10100] =	vst v63  }
0xa9: {  	s17 =	simm.s32 $0x4900;
	v7 =	vperm.xlane v7, v6  }
0xaa: {  	[tilespmem:s17], [sflag:$0x1] =	stream.indirect_vreg.gather [hbm4b:s4+s3], $0x80, v8, vm0, $0xb8;
	[tilespmem:$0x10100] =	vst v63  }
0xab: {  	s18 =	simm.s32 $0x5100;
	v7 =	vadd.s32 v5, v7  }
0xac: {  	[tilespmem:s18], [sflag:$0x1] =	stream.indirect_vreg.gather [hbm4b:s6+s3], $0x80, v8, vm0, $0xb8;
	[tilespmem:$0x10100] =	vst v63  }
0xad: {  	s20 =	simm.s32 $0x5900  }
0xae: {  	[tilespmem:s20], [sflag:$0x1] =	stream.indirect_vreg.gather [hbm4b:s7+s3], $0x80, v8, vm0, $0xb8;
	[tilespmem:$0x10100] =	vst v63  }
0xaf: {  	s2 =	simm.s32 $0x6100  }
0xb0: {  	[tilespmem:s2], [sflag:$0x1] =	stream.indirect_vreg.gather [hbm4b:s1+s3], $0x80, v7, vm0, $0xb8;
	[tilespmem:$0x10100] =	vst v63  }
0xb1: {  	s0 =	simm.s32 $0x6900  }
0xb2: {  	[tilespmem:s0], [sflag:$0x1] =	stream.indirect_vreg.gather [hbm4b:s4+s3], $0x80, v7, vm0, $0xb8;
	[tilespmem:$0x10100] =	vst v63  }
0xb3: {  	s5 =	simm.s32 $0x7100  }
0xb4: {  	[tilespmem:s5], [sflag:$0x1] =	stream.indirect_vreg.gather [hbm4b:s6+s3], $0x80, v7, vm0, $0xb8;
	[tilespmem:$0x10100] =	vst v63  }
0xb5: {  	s13 =	simm.s32 $0x7900  }
0xb6: {  	[tilespmem:s13], [sflag:$0x1] =	stream.indirect_vreg.gather [hbm4b:s7+s3], $0x80, v7, vm0, $0xb8;
	[tilespmem:$0x10100] =	vst v63  }
0xb7: {  	v7 =	vld [tilespmem:$0xA0];
	_ =	sdelay $0x4  }
0xb8: {  	v8 =	vshll.u32 v7, $0x3  }
0xb9: {  	v7 =	vand.u32 $0x7, v7;
	v8 =	vand.u32 $0xFFFFFFC0, v8  }
0xba: {  	v7 =	vor.u32 v7, v8  }
0xbb: {  	v8 =	vperm.xlane v7, v4;
	_ =	sdelay $0x1  }
0xbc: {  	v8 =	vadd.s32 v5, v8;
	_ =	sdelay $0x3  }
0xbd: {  	s14 =	simm.s32 $0x8100  }
0xbe: {  	[tilespmem:s14], [sflag:$0x1] =	stream.indirect_vreg.gather [hbm4b:s1+s3], $0x80, v8, vm0, $0xb8;
	[tilespmem:$0x10100] =	vst v63  }
0xbf: {  	s15 =	simm.s32 $0x8900;
	v7 =	vperm.xlane v7, v6  }
0xc0: {  	[tilespmem:s15], [sflag:$0x1] =	stream.indirect_vreg.gather [hbm4b:s4+s3], $0x80, v8, vm0, $0xb8;
	[tilespmem:$0x10100] =	vst v63  }
0xc1: {  	s10 =	simm.s32 $0x9100;
	v7 =	vadd.s32 v5, v7  }
0xc2: {  	[tilespmem:s10], [sflag:$0x1] =	stream.indirect_vreg.gather [hbm4b:s6+s3], $0x80, v8, vm0, $0xb8;
	[tilespmem:$0x10100] =	vst v63  }
0xc3: {  	s11 =	simm.s32 $0x9900  }
0xc4: {  	[tilespmem:s11], [sflag:$0x1] =	stream.indirect_vreg.gather [hbm4b:s7+s3], $0x80, v8, vm0, $0xb8;
	[tilespmem:$0x10100] =	vst v63  }
0xc5: {  	s12 =	simm.s32 $0xA100  }
0xc6: {  	[tilespmem:s12], [sflag:$0x1] =	stream.indirect_vreg.gather [hbm4b:s1+s3], $0x80, v7, vm0, $0xb8;
	[tilespmem:$0x10100] =	vst v63  }
0xc7: {  	s13 =	simm.s32 $0xA900  }
0xc8: {  	[tilespmem:s13], [sflag:$0x1] =	stream.indirect_vreg.gather [hbm4b:s4+s3], $0x80, v7, vm0, $0xb8;
	[tilespmem:$0x10100] =	vst v63  }
0xc9: {  	s28 =	simm.s32 $0xB100  }
0xca: {  	[tilespmem:s28], [sflag:$0x1] =	stream.indirect_vreg.gather [hbm4b:s6+s3], $0x80, v7, vm0, $0xb8;
	[tilespmem:$0x10100] =	vst v63  }
0xcb: {  	s24 =	simm.s32 $0xB900  }
0xcc: {  	[tilespmem:s24], [sflag:$0x1] =	stream.indirect_vreg.gather [hbm4b:s7+s3], $0x80, v7, vm0, $0xb8;
	[tilespmem:$0x10100] =	vst v63  }
0xcd: {  	v7 =	vld [tilespmem:$0xB0];
	_ =	sdelay $0x4  }
0xce: {  	v8 =	vshll.u32 v7, $0x3  }
0xcf: {  	v7 =	vand.u32 $0x7, v7;
	v8 =	vand.u32 $0xFFFFFFC0, v8  }
0xd0: {  	v7 =	vor.u32 v7, v8  }
0xd1: {  	v8 =	vperm.xlane v7, v4;
	_ =	sdelay $0x1  }
0xd2: {  	v8 =	vadd.s32 v5, v8;
	_ =	sdelay $0x3  }
0xd3: {  	s21 =	simm.s32 $0xC100  }
0xd4: {  	[tilespmem:s21], [sflag:$0x1] =	stream.indirect_vreg.gather [hbm4b:s1+s3], $0x80, v8, vm0, $0xb8;
	[tilespmem:$0x10100] =	vst v63  }
0xd5: {  	s22 =	simm.s32 $0xC900;
	v7 =	vperm.xlane v7, v6  }
0xd6: {  	[tilespmem:s22], [sflag:$0x1] =	stream.indirect_vreg.gather [hbm4b:s4+s3], $0x80, v8, vm0, $0xb8;
	[tilespmem:$0x10100] =	vst v63  }
0xd7: {  	s26 =	simm.s32 $0xD100;
	v7 =	vadd.s32 v5, v7  }
0xd8: {  	[tilespmem:s26], [sflag:$0x1] =	stream.indirect_vreg.gather [hbm4b:s6+s3], $0x80, v8, vm0, $0xb8;
	[tilespmem:$0x10100] =	vst v63  }
0xd9: {  	s30 =	simm.s32 $0xD900  }
0xda: {  	[tilespmem:s30], [sflag:$0x1] =	stream.indirect_vreg.gather [hbm4b:s7+s3], $0x80, v8, vm0, $0xb8;
	[tilespmem:$0x10100] =	vst v63  }
0xdb: {  	s31 =	simm.s32 $0xE100  }
0xdc: {  	[tilespmem:s31], [sflag:$0x1] =	stream.indirect_vreg.gather [hbm4b:s1+s3], $0x80, v7, vm0, $0xb8;
	[tilespmem:$0x10100] =	vst v63  }
0xdd: {  	s26 =	simm.s32 $0xE900  }
0xde: {  	[tilespmem:s26], [sflag:$0x1] =	stream.indirect_vreg.gather [hbm4b:s4+s3], $0x80, v7, vm0, $0xb8;
	[tilespmem:$0x10100] =	vst v63  }
0xdf: {  	s25 =	simm.s32 $0xF100  }
0xe0: {  	[tilespmem:s25], [sflag:$0x1] =	stream.indirect_vreg.gather [hbm4b:s6+s3], $0x80, v7, vm0, $0xb8;
	[tilespmem:$0x10100] =	vst v63  }
0xe1: {  	s23 =	simm.s32 $0xF900  }
0xe2: {  	[tilespmem:s23], [sflag:$0x1] =	stream.indirect_vreg.gather [hbm4b:s7+s3], $0x80, v7, vm0, $0xb8;
	[tilespmem:$0x10100] =	vst v63  }
0xe3: {  	_ =	swait.ge [sflag:s9], $0x10000  }
0xe4: {  	[sflag:s9] =	ssyncset.done $0x0  }
0xe5: {  	s30 =	rddreg [dreg:$0x6];
	[sflag:s9] =	ssyncadd.s32 $0xFFFF0000  }
0xe6: {  	[hbm4b:s30+s3] =	stream.linear.scatter [tilespmem:s29], [sflag:$0x1], $0x10000, $0x38;
	[tilespmem:$0x10100] =	vst v63  }
0xe7: {  	_ =	swait.ge [sflag:s9], $0x10000  }
0xe8: {  	[sflag:s9] =	ssyncset.done $0x0  }
0xe9: {  	s22 =	rddreg [dreg:$0x7];
	[sflag:s9] =	ssyncadd.s32 $0xFFFF0000  }
0xea: {  	[tilespmem:s3], [sflag:$0x1] =	stream.linear.gather [hbm4b:s22+s3], $0x40, $0x38;
	[tilespmem:$0x10100] =	vst v63  }
0xeb: {  	_ =	swait.ge [sflag:s9], $0x40  }
0xec: {  	[sflag:s9] =	ssyncset.done $0x0  }
0xed: {  	[sflag:s9] =	ssyncadd.s32 $0xFFFFFFC0  }
0xee: {  	v7 =	vld.idx.msk [tilespmem:v0+s3+$0x0], $0xffff;
	_ =	sdelay $0x4  }
0xef: {  	v7 =	vshll.u32 v7, $0x1  }
0xf0: {  	v8 =	vadd.s32 $0x2000, v7  }
0xf1: {  	[tilespmem:$0x80] =	vst v8  }
0xf2: {  	v62 =	vld.idx.msk [tilespmem:v1+s3+$0x0], $0xffff;
	_ =	sdelay $0x4  }
0xf3: {  	v9 =	vshll.u32 v62, $0x1  }
0xf4: {  	v9 =	vadd.s32 $0x2000, v9  }
0xf5: {  	[tilespmem:$0x90] =	vst v9  }
0xf6: {  	v9 =	vld.idx.msk [tilespmem:v2+s3+$0x0], $0xffff;
	_ =	sdelay $0x4  }
0xf7: {  	v9 =	vshll.u32 v9, $0x1  }
0xf8: {  	v8 =	vshll.u32 v8, $0x3;
	v9 =	vadd.s32 $0x2000, v9  }
0xf9: {  	v7 =	vand.u32 $0x6, v7;
	v8 =	vand.u32 $0xFFFFFFC0, v8;
	[tilespmem:$0xA0] =	vst v9  }
0xfa: {  	v7 =	vor.u32 v7, v8;
	v9 =	vld.idx.msk [tilespmem:v3+s3+$0x0], $0xffff  }
0xfb: {  	v8 =	vperm.xlane v7, v4;
	_ =	sdelay $0x1  }
0xfc: {  	v8 =	vadd.s32 v5, v8;
	_ =	sdelay $0x1  }
0xfd: {  	v9 =	vshll.u32 v9, $0x1  }
0xfe: {  	v9 =	vadd.s32 $0x2000, v9  }
0xff: {  	[tilespmem:$0xB0] =	vst v9  }
0x100: {  	[tilespmem:s29], [sflag:$0x1] =	stream.indirect_vreg.gather [hbm4b:s1+s3], $0x80, v8, vm0, $0xb8;
	[tilespmem:$0x10100] =	vst v63  }
0x101: {  	s23 =	simm.s32 $0x900;
	v7 =	vperm.xlane v7, v6  }
0x102: {  	[tilespmem:s23], [sflag:$0x1] =	stream.indirect_vreg.gather [hbm4b:s4+s3], $0x80, v8, vm0, $0xb8;
	[tilespmem:$0x10100] =	vst v63  }
0x103: {  	s25 =	simm.s32 $0x1100;
	v7 =	vadd.s32 v5, v7  }
0x104: {  	[tilespmem:s25], [sflag:$0x1] =	stream.indirect_vreg.gather [hbm4b:s6+s3], $0x80, v8, vm0, $0xb8;
	[tilespmem:$0x10100] =	vst v63  }
0x105: {  	s30 =	simm.s32 $0x1900  }
0x106: {  	[tilespmem:s30], [sflag:$0x1] =	stream.indirect_vreg.gather [hbm4b:s7+s3], $0x80, v8, vm0, $0xb8;
	[tilespmem:$0x10100] =	vst v63  }
0x107: {  	s23 =	simm.s32 $0x2100  }
0x108: {  	[tilespmem:s23], [sflag:$0x1] =	stream.indirect_vreg.gather [hbm4b:s1+s3], $0x80, v7, vm0, $0xb8;
	[tilespmem:$0x10100] =	vst v63  }
0x109: {  	s25 =	simm.s32 $0x2900  }
0x10a: {  	[tilespmem:s25], [sflag:$0x1] =	stream.indirect_vreg.gather [hbm4b:s4+s3], $0x80, v7, vm0, $0xb8;
	[tilespmem:$0x10100] =	vst v63  }
0x10b: {  	s30 =	simm.s32 $0x3100  }
0x10c: {  	[tilespmem:s30], [sflag:$0x1] =	stream.indirect_vreg.gather [hbm4b:s6+s3], $0x80, v7, vm0, $0xb8;
	[tilespmem:$0x10100] =	vst v63  }
0x10d: {  	s23 =	simm.s32 $0x3900  }
0x10e: {  	[tilespmem:s23], [sflag:$0x1] =	stream.indirect_vreg.gather [hbm4b:s7+s3], $0x80, v7, vm0, $0xb8;
	[tilespmem:$0x10100] =	vst v63  }
0x10f: {  	v7 =	vld [tilespmem:$0x90];
	_ =	sdelay $0x4  }
0x110: {  	v8 =	vshll.u32 v7, $0x3  }
0x111: {  	v7 =	vand.u32 $0x7, v7;
	v8 =	vand.u32 $0xFFFFFFC0, v8  }
0x112: {  	v7 =	vor.u32 v7, v8  }
0x113: {  	v8 =	vperm.xlane v7, v4;
	_ =	sdelay $0x1  }
0x114: {  	v8 =	vadd.s32 v5, v8;
	_ =	sdelay $0x4  }
0x115: {  	[tilespmem:s16], [sflag:$0x1] =	stream.indirect_vreg.gather [hbm4b:s1+s3], $0x80, v8, vm0, $0xb8;
	[tilespmem:$0x10100] =	vst v63  }
0x116: {  	v7 =	vperm.xlane v7, v6  }
0x117: {  	[tilespmem:s17], [sflag:$0x1] =	stream.indirect_vreg.gather [hbm4b:s4+s3], $0x80, v8, vm0, $0xb8;
	[tilespmem:$0x10100] =	vst v63  }
0x118: {  	v7 =	vadd.s32 v5, v7  }
0x119: {  	[tilespmem:s18], [sflag:$0x1] =	stream.indirect_vreg.gather [hbm4b:s6+s3], $0x80, v8, vm0, $0xb8;
	[tilespmem:$0x10100] =	vst v63  }
0x11a: {  	_ = 	snop  }
0x11b: {  	[tilespmem:s20], [sflag:$0x1] =	stream.indirect_vreg.gather [hbm4b:s7+s3], $0x80, v8, vm0, $0xb8;
	[tilespmem:$0x10100] =	vst v63  }
0x11c: {  	_ = 	snop  }
0x11d: {  	[tilespmem:s2], [sflag:$0x1] =	stream.indirect_vreg.gather [hbm4b:s1+s3], $0x80, v7, vm0, $0xb8;
	[tilespmem:$0x10100] =	vst v63  }
0x11e: {  	_ = 	snop  }
0x11f: {  	[tilespmem:s0], [sflag:$0x1] =	stream.indirect_vreg.gather [hbm4b:s4+s3], $0x80, v7, vm0, $0xb8;
	[tilespmem:$0x10100] =	vst v63  }
0x120: {  	_ = 	snop  }
0x121: {  	[tilespmem:s5], [sflag:$0x1] =	stream.indirect_vreg.gather [hbm4b:s6+s3], $0x80, v7, vm0, $0xb8;
	[tilespmem:$0x10100] =	vst v63  }
0x122: {  	s25 =	simm.s32 $0x7900  }
0x123: {  	[tilespmem:s25], [sflag:$0x1] =	stream.indirect_vreg.gather [hbm4b:s7+s3], $0x80, v7, vm0, $0xb8;
	[tilespmem:$0x10100] =	vst v63  }
0x124: {  	v7 =	vld [tilespmem:$0xA0];
	_ =	sdelay $0x4  }
0x125: {  	v8 =	vshll.u32 v7, $0x3  }
0x126: {  	v7 =	vand.u32 $0x7, v7;
	v8 =	vand.u32 $0xFFFFFFC0, v8  }
0x127: {  	v7 =	vor.u32 v7, v8  }
0x128: {  	v8 =	vperm.xlane v7, v4;
	_ =	sdelay $0x1  }
0x129: {  	v8 =	vadd.s32 v5, v8;
	_ =	sdelay $0x4  }
0x12a: {  	[tilespmem:s14], [sflag:$0x1] =	stream.indirect_vreg.gather [hbm4b:s1+s3], $0x80, v8, vm0, $0xb8;
	[tilespmem:$0x10100] =	vst v63  }
0x12b: {  	v7 =	vperm.xlane v7, v6  }
0x12c: {  	[tilespmem:s15], [sflag:$0x1] =	stream.indirect_vreg.gather [hbm4b:s4+s3], $0x80, v8, vm0, $0xb8;
	[tilespmem:$0x10100] =	vst v63  }
0x12d: {  	v7 =	vadd.s32 v5, v7  }
0x12e: {  	[tilespmem:s10], [sflag:$0x1] =	stream.indirect_vreg.gather [hbm4b:s6+s3], $0x80, v8, vm0, $0xb8;
	[tilespmem:$0x10100] =	vst v63  }
0x12f: {  	_ = 	snop  }
0x130: {  	[tilespmem:s11], [sflag:$0x1] =	stream.indirect_vreg.gather [hbm4b:s7+s3], $0x80, v8, vm0, $0xb8;
	[tilespmem:$0x10100] =	vst v63  }
0x131: {  	_ = 	snop  }
0x132: {  	[tilespmem:s12], [sflag:$0x1] =	stream.indirect_vreg.gather [hbm4b:s1+s3], $0x80, v7, vm0, $0xb8;
	[tilespmem:$0x10100] =	vst v63  }
0x133: {  	_ = 	snop  }
0x134: {  	[tilespmem:s13], [sflag:$0x1] =	stream.indirect_vreg.gather [hbm4b:s4+s3], $0x80, v7, vm0, $0xb8;
	[tilespmem:$0x10100] =	vst v63  }
0x135: {  	s28 =	simm.s32 $0xB100  }
0x136: {  	[tilespmem:s28], [sflag:$0x1] =	stream.indirect_vreg.gather [hbm4b:s6+s3], $0x80, v7, vm0, $0xb8;
	[tilespmem:$0x10100] =	vst v63  }
0x137: {  	s30 =	simm.s32 $0xB900  }
0x138: {  	[tilespmem:s30], [sflag:$0x1] =	stream.indirect_vreg.gather [hbm4b:s7+s3], $0x80, v7, vm0, $0xb8;
	[tilespmem:$0x10100] =	vst v63  }
0x139: {  	v7 =	vld [tilespmem:$0xB0];
	_ =	sdelay $0x4  }
0x13a: {  	v8 =	vshll.u32 v7, $0x3  }
0x13b: {  	v7 =	vand.u32 $0x7, v7;
	v8 =	vand.u32 $0xFFFFFFC0, v8  }
0x13c: {  	v7 =	vor.u32 v7, v8  }
0x13d: {  	v8 =	vperm.xlane v7, v4;
	_ =	sdelay $0x1  }
0x13e: {  	v8 =	vadd.s32 v5, v8;
	_ =	sdelay $0x3  }
0x13f: {  	s25 =	simm.s32 $0xC100  }
0x140: {  	[tilespmem:s25], [sflag:$0x1] =	stream.indirect_vreg.gather [hbm4b:s1+s3], $0x80, v8, vm0, $0xb8;
	[tilespmem:$0x10100] =	vst v63  }
0x141: {  	s28 =	simm.s32 $0xC900;
	v7 =	vperm.xlane v7, v6  }
0x142: {  	[tilespmem:s28], [sflag:$0x1] =	stream.indirect_vreg.gather [hbm4b:s4+s3], $0x80, v8, vm0, $0xb8;
	[tilespmem:$0x10100] =	vst v63  }
0x143: {  	s30 =	simm.s32 $0xD100;
	v7 =	vadd.s32 v5, v7  }
0x144: {  	[tilespmem:s30], [sflag:$0x1] =	stream.indirect_vreg.gather [hbm4b:s6+s3], $0x80, v8, vm0, $0xb8;
	[tilespmem:$0x10100] =	vst v63  }
0x145: {  	s21 =	simm.s32 $0xD900  }
0x146: {  	[tilespmem:s21], [sflag:$0x1] =	stream.indirect_vreg.gather [hbm4b:s7+s3], $0x80, v8, vm0, $0xb8;
	[tilespmem:$0x10100] =	vst v63  }
0x147: {  	s31 =	simm.s32 $0xE100  }
0x148: {  	[tilespmem:s31], [sflag:$0x1] =	stream.indirect_vreg.gather [hbm4b:s1+s3], $0x80, v7, vm0, $0xb8;
	[tilespmem:$0x10100] =	vst v63  }
0x149: {  	s26 =	simm.s32 $0xE900  }
0x14a: {  	[tilespmem:s26], [sflag:$0x1] =	stream.indirect_vreg.gather [hbm4b:s4+s3], $0x80, v7, vm0, $0xb8;
	[tilespmem:$0x10100] =	vst v63  }
0x14b: {  	s24 =	simm.s32 $0xF100  }
0x14c: {  	[tilespmem:s24], [sflag:$0x1] =	stream.indirect_vreg.gather [hbm4b:s6+s3], $0x80, v7, vm0, $0xb8;
	[tilespmem:$0x10100] =	vst v63  }
0x14d: {  	s24 =	simm.s32 $0xF900  }
0x14e: {  	[tilespmem:s24], [sflag:$0x1] =	stream.indirect_vreg.gather [hbm4b:s7+s3], $0x80, v7, vm0, $0xb8;
	[tilespmem:$0x10100] =	vst v63  }
0x14f: {  	_ =	swait.ge [sflag:s9], $0x10000  }
0x150: {  	[sflag:s9] =	ssyncset.done $0x0  }
0x151: {  	s26 =	rddreg [dreg:$0x8];
	[sflag:s9] =	ssyncadd.s32 $0xFFFF0000  }
0x152: {  	[hbm4b:s26+s3] =	stream.linear.scatter [tilespmem:s29], [sflag:$0x1], $0x10000, $0x38;
	[tilespmem:$0x10100] =	vst v63  }
0x153: {  	_ =	swait.ge [sflag:s9], $0x10000  }
0x154: {  	[sflag:s9] =	ssyncset.done $0x0  }
0x155: {  	s26 =	rddreg [dreg:$0x9];
	[sflag:s9] =	ssyncadd.s32 $0xFFFF0000  }
0x156: {  	[tilespmem:s3], [sflag:$0x1] =	stream.linear.gather [hbm4b:s26+s3], $0x40, $0x38;
	[tilespmem:$0x10100] =	vst v63  }
0x157: {  	_ =	swait.ge [sflag:s9], $0x40  }
0x158: {  	[sflag:s9] =	ssyncset.done $0x0  }
0x159: {  	[sflag:s9] =	ssyncadd.s32 $0xFFFFFFC0  }
0x15a: {  	v7 =	vld.idx.msk [tilespmem:v0+s3+$0x0], $0xffff;
	_ =	sdelay $0x4  }
0x15b: {  	v7 =	vshll.u32 v7, $0x1  }
0x15c: {  	v8 =	vadd.s32 $0x2000, v7  }
0x15d: {  	[tilespmem:$0x80] =	vst v8  }
0x15e: {  	v63 =	vld.idx.msk [tilespmem:v1+s3+$0x0], $0xffff;
	_ =	sdelay $0x4  }
0x15f: {  	v9 =	vshll.u32 v63, $0x1  }
0x160: {  	v9 =	vadd.s32 $0x2000, v9  }
0x161: {  	[tilespmem:$0x90] =	vst v9  }
0x162: {  	v9 =	vld.idx.msk [tilespmem:v2+s3+$0x0], $0xffff;
	_ =	sdelay $0x4  }
0x163: {  	v9 =	vshll.u32 v9, $0x1  }
0x164: {  	v8 =	vshll.u32 v8, $0x3;
	v9 =	vadd.s32 $0x2000, v9  }
0x165: {  	v7 =	vand.u32 $0x6, v7;
	v8 =	vand.u32 $0xFFFFFFC0, v8;
	[tilespmem:$0xA0] =	vst v9  }
0x166: {  	v7 =	vor.u32 v7, v8;
	v9 =	vld.idx.msk [tilespmem:v3+s3+$0x0], $0xffff  }
0x167: {  	v8 =	vperm.xlane v7, v4;
	_ =	sdelay $0x1  }
0x168: {  	v8 =	vadd.s32 v5, v8;
	_ =	sdelay $0x1  }
0x169: {  	v9 =	vshll.u32 v9, $0x1  }
0x16a: {  	v9 =	vadd.s32 $0x2000, v9  }
0x16b: {  	[tilespmem:$0xB0] =	vst v9  }
0x16c: {  	[tilespmem:s29], [sflag:$0x1] =	stream.indirect_vreg.gather [hbm4b:s1+s3], $0x80, v8, vm0, $0xb8;
	[tilespmem:$0x10100] =	vst v63  }
0x16d: {  	s26 =	simm.s32 $0x900;
	v7 =	vperm.xlane v7, v6  }
0x16e: {  	[tilespmem:s26], [sflag:$0x1] =	stream.indirect_vreg.gather [hbm4b:s4+s3], $0x80, v8, vm0, $0xb8;
	[tilespmem:$0x10100] =	vst v63  }
0x16f: {  	s22 =	simm.s32 $0x1100;
	v7 =	vadd.s32 v5, v7  }
0x170: {  	[tilespmem:s22], [sflag:$0x1] =	stream.indirect_vreg.gather [hbm4b:s6+s3], $0x80, v8, vm0, $0xb8;
	[tilespmem:$0x10100] =	vst v63  }
0x171: {  	s26 =	simm.s32 $0x1900  }
0x172: {  	[tilespmem:s26], [sflag:$0x1] =	stream.indirect_vreg.gather [hbm4b:s7+s3], $0x80, v8, vm0, $0xb8;
	[tilespmem:$0x10100] =	vst v63  }
0x173: {  	s22 =	simm.s32 $0x2100  }
0x174: {  	[tilespmem:s22], [sflag:$0x1] =	stream.indirect_vreg.gather [hbm4b:s1+s3], $0x80, v7, vm0, $0xb8;
	[tilespmem:$0x10100] =	vst v63  }
0x175: {  	s26 =	simm.s32 $0x2900  }
0x176: {  	[tilespmem:s26], [sflag:$0x1] =	stream.indirect_vreg.gather [hbm4b:s4+s3], $0x80, v7, vm0, $0xb8;
	[tilespmem:$0x10100] =	vst v63  }
0x177: {  	s22 =	simm.s32 $0x3100  }
0x178: {  	[tilespmem:s22], [sflag:$0x1] =	stream.indirect_vreg.gather [hbm4b:s6+s3], $0x80, v7, vm0, $0xb8;
	[tilespmem:$0x10100] =	vst v63  }
0x179: {  	s26 =	simm.s32 $0x3900  }
0x17a: {  	[tilespmem:s26], [sflag:$0x1] =	stream.indirect_vreg.gather [hbm4b:s7+s3], $0x80, v7, vm0, $0xb8;
	[tilespmem:$0x10100] =	vst v63  }
0x17b: {  	v7 =	vld [tilespmem:$0x90];
	_ =	sdelay $0x4  }
0x17c: {  	v8 =	vshll.u32 v7, $0x3  }
0x17d: {  	v7 =	vand.u32 $0x7, v7;
	v8 =	vand.u32 $0xFFFFFFC0, v8  }
0x17e: {  	v7 =	vor.u32 v7, v8  }
0x17f: {  	v8 =	vperm.xlane v7, v4;
	_ =	sdelay $0x1  }
0x180: {  	v8 =	vadd.s32 v5, v8;
	_ =	sdelay $0x3  }
0x181: {  	s16 =	simm.s32 $0x4100  }
0x182: {  	[tilespmem:s16], [sflag:$0x1] =	stream.indirect_vreg.gather [hbm4b:s1+s3], $0x80, v8, vm0, $0xb8;
	[tilespmem:$0x10100] =	vst v63  }
0x183: {  	s17 =	simm.s32 $0x4900;
	v7 =	vperm.xlane v7, v6  }
0x184: {  	[tilespmem:s17], [sflag:$0x1] =	stream.indirect_vreg.gather [hbm4b:s4+s3], $0x80, v8, vm0, $0xb8;
	[tilespmem:$0x10100] =	vst v63  }
0x185: {  	s18 =	simm.s32 $0x5100;
	v7 =	vadd.s32 v5, v7  }
0x186: {  	[tilespmem:s18], [sflag:$0x1] =	stream.indirect_vreg.gather [hbm4b:s6+s3], $0x80, v8, vm0, $0xb8;
	[tilespmem:$0x10100] =	vst v63  }
0x187: {  	s20 =	simm.s32 $0x5900  }
0x188: {  	[tilespmem:s20], [sflag:$0x1] =	stream.indirect_vreg.gather [hbm4b:s7+s3], $0x80, v8, vm0, $0xb8;
	[tilespmem:$0x10100] =	vst v63  }
0x189: {  	s2 =	simm.s32 $0x6100  }
0x18a: {  	[tilespmem:s2], [sflag:$0x1] =	stream.indirect_vreg.gather [hbm4b:s1+s3], $0x80, v7, vm0, $0xb8;
	[tilespmem:$0x10100] =	vst v63  }
0x18b: {  	s0 =	simm.s32 $0x6900  }
0x18c: {  	[tilespmem:s0], [sflag:$0x1] =	stream.indirect_vreg.gather [hbm4b:s4+s3], $0x80, v7, vm0, $0xb8;
	[tilespmem:$0x10100] =	vst v63  }
0x18d: {  	s5 =	simm.s32 $0x7100  }
0x18e: {  	[tilespmem:s5], [sflag:$0x1] =	stream.indirect_vreg.gather [hbm4b:s6+s3], $0x80, v7, vm0, $0xb8;
	[tilespmem:$0x10100] =	vst v63  }
0x18f: {  	s20 =	simm.s32 $0x7900  }
0x190: {  	[tilespmem:s20], [sflag:$0x1] =	stream.indirect_vreg.gather [hbm4b:s7+s3], $0x80, v7, vm0, $0xb8;
	[tilespmem:$0x10100] =	vst v63  }
0x191: {  	v7 =	vld [tilespmem:$0xA0];
	_ =	sdelay $0x4  }
0x192: {  	v8 =	vshll.u32 v7, $0x3  }
0x193: {  	v7 =	vand.u32 $0x7, v7;
	v8 =	vand.u32 $0xFFFFFFC0, v8  }
0x194: {  	v7 =	vor.u32 v7, v8  }
0x195: {  	v8 =	vperm.xlane v7, v4;
	_ =	sdelay $0x1  }
0x196: {  	v8 =	vadd.s32 v5, v8;
	_ =	sdelay $0x3  }
0x197: {  	s14 =	simm.s32 $0x8100  }
0x198: {  	[tilespmem:s14], [sflag:$0x1] =	stream.indirect_vreg.gather [hbm4b:s1+s3], $0x80, v8, vm0, $0xb8;
	[tilespmem:$0x10100] =	vst v63  }
0x199: {  	s15 =	simm.s32 $0x8900;
	v7 =	vperm.xlane v7, v6  }
0x19a: {  	[tilespmem:s15], [sflag:$0x1] =	stream.indirect_vreg.gather [hbm4b:s4+s3], $0x80, v8, vm0, $0xb8;
	[tilespmem:$0x10100] =	vst v63  }
0x19b: {  	s10 =	simm.s32 $0x9100;
	v7 =	vadd.s32 v5, v7  }
0x19c: {  	[tilespmem:s10], [sflag:$0x1] =	stream.indirect_vreg.gather [hbm4b:s6+s3], $0x80, v8, vm0, $0xb8;
	[tilespmem:$0x10100] =	vst v63  }
0x19d: {  	s11 =	simm.s32 $0x9900  }
0x19e: {  	[tilespmem:s11], [sflag:$0x1] =	stream.indirect_vreg.gather [hbm4b:s7+s3], $0x80, v8, vm0, $0xb8;
	[tilespmem:$0x10100] =	vst v63  }
0x19f: {  	s12 =	simm.s32 $0xA100  }
0x1a0: {  	[tilespmem:s12], [sflag:$0x1] =	stream.indirect_vreg.gather [hbm4b:s1+s3], $0x80, v7, vm0, $0xb8;
	[tilespmem:$0x10100] =	vst v63  }
0x1a1: {  	s13 =	simm.s32 $0xA900  }
0x1a2: {  	[tilespmem:s13], [sflag:$0x1] =	stream.indirect_vreg.gather [hbm4b:s4+s3], $0x80, v7, vm0, $0xb8;
	[tilespmem:$0x10100] =	vst v63  }
0x1a3: {  	s23 =	simm.s32 $0xB100  }
0x1a4: {  	[tilespmem:s23], [sflag:$0x1] =	stream.indirect_vreg.gather [hbm4b:s6+s3], $0x80, v7, vm0, $0xb8;
	[tilespmem:$0x10100] =	vst v63  }
0x1a5: {  	s22 =	simm.s32 $0xB900  }
0x1a6: {  	[tilespmem:s22], [sflag:$0x1] =	stream.indirect_vreg.gather [hbm4b:s7+s3], $0x80, v7, vm0, $0xb8;
	[tilespmem:$0x10100] =	vst v63  }
0x1a7: {  	v7 =	vld [tilespmem:$0xB0];
	_ =	sdelay $0x4  }
0x1a8: {  	v8 =	vshll.u32 v7, $0x3  }
0x1a9: {  	v7 =	vand.u32 $0x7, v7;
	v8 =	vand.u32 $0xFFFFFFC0, v8  }
0x1aa: {  	v7 =	vor.u32 v7, v8  }
0x1ab: {  	v8 =	vperm.xlane v7, v4;
	_ =	sdelay $0x1  }
0x1ac: {  	v8 =	vadd.s32 v5, v8;
	_ =	sdelay $0x3  }
0x1ad: {  	s23 =	simm.s32 $0xC100  }
0x1ae: {  	[tilespmem:s23], [sflag:$0x1] =	stream.indirect_vreg.gather [hbm4b:s1+s3], $0x80, v8, vm0, $0xb8;
	[tilespmem:$0x10100] =	vst v63  }
0x1af: {  	s26 =	simm.s32 $0xC900;
	v7 =	vperm.xlane v7, v6  }
0x1b0: {  	[tilespmem:s26], [sflag:$0x1] =	stream.indirect_vreg.gather [hbm4b:s4+s3], $0x80, v8, vm0, $0xb8;
	[tilespmem:$0x10100] =	vst v63  }
0x1b1: {  	s30 =	simm.s32 $0xD100;
	v7 =	vadd.s32 v5, v7  }
0x1b2: {  	[tilespmem:s30], [sflag:$0x1] =	stream.indirect_vreg.gather [hbm4b:s6+s3], $0x80, v8, vm0, $0xb8;
	[tilespmem:$0x10100] =	vst v63  }
0x1b3: {  	s25 =	simm.s32 $0xD900  }
0x1b4: {  	[tilespmem:s25], [sflag:$0x1] =	stream.indirect_vreg.gather [hbm4b:s7+s3], $0x80, v8, vm0, $0xb8;
	[tilespmem:$0x10100] =	vst v63  }
0x1b5: {  	s31 =	simm.s32 $0xE100  }
0x1b6: {  	[tilespmem:s31], [sflag:$0x1] =	stream.indirect_vreg.gather [hbm4b:s1+s3], $0x80, v7, vm0, $0xb8;
	[tilespmem:$0x10100] =	vst v63  }
0x1b7: {  	s28 =	simm.s32 $0xE900  }
0x1b8: {  	[tilespmem:s28], [sflag:$0x1] =	stream.indirect_vreg.gather [hbm4b:s4+s3], $0x80, v7, vm0, $0xb8;
	[tilespmem:$0x10100] =	vst v63  }
0x1b9: {  	s21 =	simm.s32 $0xF100  }
0x1ba: {  	[tilespmem:s21], [sflag:$0x1] =	stream.indirect_vreg.gather [hbm4b:s6+s3], $0x80, v7, vm0, $0xb8;
	[tilespmem:$0x10100] =	vst v63  }
0x1bb: {  	s24 =	simm.s32 $0xF900  }
0x1bc: {  	[tilespmem:s24], [sflag:$0x1] =	stream.indirect_vreg.gather [hbm4b:s7+s3], $0x80, v7, vm0, $0xb8;
	[tilespmem:$0x10100] =	vst v63  }
0x1bd: {  	_ =	swait.ge [sflag:s9], $0x10000  }
0x1be: {  	p0 =	sne.s32 s8, $0x1;
	[sflag:s9] =	ssyncset.done $0x0  }
.Ltmp0:
0x1bf: {  	s31 =	rddreg [dreg:$0xa];
	[sflag:s9] =	ssyncadd.s32 $0xFFFF0000;
	(pc) =	sbr.rel @p0 .LBB2_1-.Ltmp0, $4  }
0x1c0: {  	[hbm4b:s31+s3] =	stream.linear.scatter [tilespmem:s29], [sflag:$0x1], $0x10000, $0x38;
	[tilespmem:$0x10100] =	vst v63  }
0x1c1: {  	_ =	swait.ge [sflag:s9], $0x10000  }
0x1c2: {  	[sflag:s9] =	ssyncset.done $0x0  }
0x1c3: {  	s8 =	sadd.s32 $0xFFFFFFFF, s8;
	[sflag:s9] =	ssyncadd.s32 $0xFFFF0000  }
0x1c4: {  	_ =	sfence.sel $0x180000  }
0x1c5: {  	[bflag:$0x0] =	sbarrier.arrive $0xFFFF  }
0x1c6: {  	_ =	strace $0x90000047  }
0x1c7: {  	s0 =	stileid.u32;
	[bflag:$0x2] =	sbarrier.arrive $0xFFFF  }
0x1c8: {  	p0 =	sne.s32 s0, $0x0;
	s0 =	rddreg [dreg:$0x3]  }
0x1c9: {  	s0 =	sadd.s32 @!p0 $0x100000, s0  }
0x1ca: {  	[sflag:s0] =	ssyncadd.tile.s32 @!p0 $0x1;
	_ =	shalt  }
.Lfunc_end2:
_tile_overlayer_lowered:
.L_overlay_start_2:
0x1cb: {  	(tag) =	ssettag $0x2  }
0x1cc: {  	s0 =	rddreg [dreg:$0x0];
	s2 =	stileid.u32  }
0x1cd: {  	s1 =	rddreg [dreg:$0x1];
	p0 =	sne.s32 s2, $0x0  }
0x1ce: {  	s3 =	rddreg [dreg:$0x2];
	[bflag:$0x3] =	sbarrier.arrive $0xFFFF;
	s2 =	simm.s32 @!p0 $0x1C01  }
0x1cf: {  	[timem:s3], [sflag:s2] =	dma.local @!p0 [hbm:s0], s1  }
0x1d0: {  	s0 =	simm.s32 @!p0 $0x1  }
0x1d1: {  	_ =	swait.ge @!p0 [sflag:s0], s1  }
0x1d2: {  	s1 =	ssub.s32 @!p0 $0x0, s1;
	[sflag:s0] =	ssyncset.done @!p0 $0x0  }
0x1d3: {  	[sflag:s0] =	ssyncadd.s32 @!p0 s1  }
0x1d4: {  	[bflag:$0x3] =	sbarrier.arrive $0xFFFF  }
0x1d5: {  	_ =	shalt  }

</sc_bundles>
